<compile_context>
chip_gen: v7x
topology: tpu7x:2x2x1
jax: 0.10.2.dev20260603
libtpu: 0.0.44.dev20260713+nightly
codegen_flags: <defaults>
</compile_context>

<pallas_src>
import functools

import jax
import jax.numpy as jnp
from jax import lax
from jax.experimental import pallas as pl
from jax.experimental.pallas import tpu as pltpu
from jax.experimental.pallas import tpu_sc as plsc

B = 1024
S = 64
NSPH = 724
NSPH_PAD = 768
H = 64
VOL = 96
STEP_SIZE = 0.5
FA_TH = 0.15
NW = 32
GPW = (S * B) // NW // 128


def _traj_body(pos0_ref, w1_ref, b1r_ref, w2_ref,
               maskr_ref, sph_ref, q_ref, dots_ref, lin_ref):
    pos0 = pos0_ref[...]
    q_ref[0] = jnp.transpose(lax.slice(pos0, (0, 0), (B, 3)), (1, 0))
    lin_ref[S - 1] = jnp.zeros((1, B), jnp.int32)
    dots_ref[S - 1] = jnp.zeros((1, B), jnp.float32)
    lane_iota = lax.broadcasted_iota(jnp.int32, (B, NSPH_PAD), 1)
    lcoef = jnp.where(lane_iota[:1, :128] == 0, float(VOL * VOL),
                      jnp.where(lane_iota[:1, :128] == 1, float(VOL),
                                jnp.where(lane_iota[:1, :128] == 2, 1.0, 0.0)))

    def body(t, carry):
        pos, prev = carry
        p3 = lax.slice(pos, (0, 0), (B, 3))
        h = jnp.maximum(
            jnp.dot(p3, w1_ref[...], preferred_element_type=jnp.float32)
            + b1r_ref[...], 0.0)
        sc = jnp.dot(h, w2_ref[...],
                     preferred_element_type=jnp.float32) + maskr_ref[...]
        idx = jnp.argmax(sc, axis=1)[:, None]
        onehot = (lane_iota == idx).astype(jnp.float32)
        nd = jnp.dot(onehot, sph_ref[...],
                     preferred_element_type=jnp.float32)
        dots_ref[t] = jnp.transpose(
            jnp.sum(nd * prev, axis=1, keepdims=True), (1, 0))
        vox = jnp.clip(jnp.round(pos), 0.0, float(VOL - 1))
        lin_ref[t] = jnp.transpose(
            jnp.sum(vox * lcoef, axis=1, keepdims=True), (1, 0)).astype(jnp.int32)
        pos_next = pos + STEP_SIZE * nd
        q_ref[t + 1] = jnp.transpose(
            lax.slice(pos_next, (0, 0), (B, 3)), (1, 0))
        return pos_next, nd

    lax.fori_loop(0, S - 1, body,
                  (pos0, jnp.zeros((B, 128), jnp.float32)))


def _finish_body(cth_ref, q_ref, dots_ref, fa_ref, qm_ref, len_ref):
    rowi = lax.broadcasted_iota(jnp.int32, (S, B), 0)
    term = ((fa_ref[...] < FA_TH)
            | ((dots_ref[...] < cth_ref[0, 0]) & (rowi > 0))) & (rowi < S - 1)
    first = jnp.min(jnp.where(term, rowi, S - 1), axis=0, keepdims=True)
    len_ref[...] = first + 1

    def body(t, _):
        qm_ref[t] = jnp.where(first >= t, q_ref[t], 0.0)
        return 0

    lax.fori_loop(0, S, body, 0)


def _sc_gather_fn():
    mesh = plsc.VectorSubcoreMesh(core_axis_name="c", subcore_axis_name="s")

    @functools.partial(
        pl.kernel, mesh=mesh,
        out_type=jax.ShapeDtypeStruct((NW, GPW, 128), jnp.float32),
        scratch_types=[
            pltpu.VMEM((GPW, 128), jnp.int32),
            pltpu.VMEM((GPW, 128), jnp.float32),
            pltpu.SemaphoreType.DMA,
        ],
    )
    def gather_k(lin_hbm, fa_hbm, out_hbm, idx_v, vals_v, sem):
        wid = lax.axis_index("s") * 2 + lax.axis_index("c")
        pltpu.sync_copy(lin_hbm.at[wid], idx_v)
        copies = [pltpu.async_copy(fa_hbm.at[idx_v.at[j]], vals_v.at[j], sem)
                  for j in range(GPW)]
        for c in copies:
            c.wait()
        pltpu.sync_copy(vals_v, out_hbm.at[wid])

    return gather_k


_sc_gather = _sc_gather_fn()


@jax.jit
def kernel(seed_points, sphere, W1, b1, W2, fa_map):
    pos0 = jnp.zeros((B, 128), jnp.float32).at[:, :3].set(seed_points[:, 0, :])
    b1r = b1.reshape(1, H)
    w2p = jnp.zeros((H, NSPH_PAD), jnp.float32).at[:, :NSPH].set(W2)
    maskr = jnp.where(jnp.arange(NSPH_PAD) < NSPH, 0.0,
                      -1e30).astype(jnp.float32).reshape(1, NSPH_PAD)
    sphp = jnp.zeros((NSPH_PAD, 128), jnp.float32).at[:NSPH, :3].set(sphere)
    cth = jnp.cos(jnp.deg2rad(jnp.float32(60.0))).reshape(1, 1)

    Q, dots, lin = pl.pallas_call(
        _traj_body,
        in_specs=[
            pl.BlockSpec((B, 128), lambda: (0, 0)),
            pl.BlockSpec((3, H), lambda: (0, 0)),
            pl.BlockSpec((1, H), lambda: (0, 0)),
            pl.BlockSpec((H, NSPH_PAD), lambda: (0, 0)),
            pl.BlockSpec((1, NSPH_PAD), lambda: (0, 0)),
            pl.BlockSpec((NSPH_PAD, 128), lambda: (0, 0)),
        ],
        out_specs=[
            pl.BlockSpec((S, 3, B), lambda: (0, 0, 0)),
            pl.BlockSpec((S, 1, B), lambda: (0, 0, 0)),
            pl.BlockSpec((S, 1, B), lambda: (0, 0, 0)),
        ],
        out_shape=[
            jax.ShapeDtypeStruct((S, 3, B), jnp.float32),
            jax.ShapeDtypeStruct((S, 1, B), jnp.float32),
            jax.ShapeDtypeStruct((S, 1, B), jnp.int32),
        ],
    )(pos0, W1, b1r, w2p, maskr, sphp)

    lin32 = lin.reshape(NW, GPW, 128)
    fa = _sc_gather(lin32, fa_map.reshape(-1)).reshape(S, B)

    Qm, lens = pl.pallas_call(
        _finish_body,
        in_specs=[
            pl.BlockSpec(memory_space=pltpu.SMEM),
            pl.BlockSpec((S, 3, B), lambda: (0, 0, 0)),
            pl.BlockSpec((S, B), lambda: (0, 0)),
            pl.BlockSpec((S, B), lambda: (0, 0)),
        ],
        out_specs=[
            pl.BlockSpec((S, 3, B), lambda: (0, 0, 0)),
            pl.BlockSpec((1, B), lambda: (0, 0)),
        ],
        out_shape=[
            jax.ShapeDtypeStruct((S, 3, B), jnp.float32),
            jax.ShapeDtypeStruct((1, B), jnp.int32),
        ],
    )(cth, Q, dots.reshape(S, B), fa)

    streamlines = jnp.transpose(Qm, (2, 0, 1))
    return streamlines, lens.reshape(B)

# --- scband reference (transcript-rebuilt; emitter-appended) ---
"""Pipeline reference for scband-tracker-89498528514891 (READ-ONLY COPY).

The authoritative reference and input builder live on the scoring server;
editing this copy changes nothing except your own understanding.
"""

import jax, jax.numpy as jnp
import numpy as np

B = 1024          # track_batch_size
S = 64            # max_sequence_length
NSPH = 724        # repulsion724 sphere directions (fodf classes)
H = 64            # hidden dim of fodf-proxy model
VOL = 96          # FA map volume side
STEP_SIZE = 0.5
ANG_DEG = 60.0
FA_TH = 0.15


def setup_inputs(seed: int = 0) -> dict:
    key = jax.random.key(seed)
    ks = jax.random.split(key, 6)
    # seed_points: zeros except [:, 0, :] which holds the seed coordinates (inside the volume)
    seeds = 48.0 + 5.0 * jax.random.normal(ks[0], (B, 3), dtype=jnp.float32)
    seed_points = jnp.zeros((B, S, 3), dtype=jnp.float32).at[:, 0, :].set(seeds)
    sph = jax.random.normal(ks[1], (NSPH, 3), dtype=jnp.float32)
    sphere = sph / jnp.linalg.norm(sph, axis=-1, keepdims=True)
    # learned parameters of the fodf model (proxy for self.model)
    W1 = jax.random.normal(ks[2], (3, H), dtype=jnp.float32) * 0.5
    b1 = jnp.zeros((H,), dtype=jnp.float32)
    W2 = jax.random.normal(ks[3], (H, NSPH), dtype=jnp.float32) * 0.1
    # FA map used for termination criterion
    fa_map = jax.random.uniform(ks[4], (VOL, VOL, VOL), dtype=jnp.float32)
    return {"seed_points": seed_points, "sphere": sphere, "W1": W1, "b1": b1, "W2": W2, "fa_map": fa_map}


def _track(seed_points, sphere, W1, b1, W2, fa_map):
    cos_th = jnp.cos(jnp.deg2rad(jnp.float32(ANG_DEG)))
    Bb, Ss, _ = seed_points.shape
    streamlines = seed_points
    padding_mask = jnp.ones((Bb, Ss), dtype=bool).at[:, 0].set(False)
    terminated = jnp.zeros((Bb,), dtype=bool)
    prev_dir = jnp.zeros((Bb, 3), dtype=seed_points.dtype)
    for step in range(Ss - 1):
        pos = streamlines[:, step, :]
        # fodfs = self.model(streamlines, padding_mask, step)
        h = jax.nn.relu(pos @ W1 + b1)
        fodf = h @ W2  # [B, 724]
        # get_next_step_from_fodf: pick best sphere direction
        idx = jnp.argmax(fodf, axis=-1)
        nd = jnp.take(sphere, idx, axis=0)  # gather [B, 3]
        # angular termination
        if step > 0:
            ang_term = jnp.sum(nd * prev_dir, axis=-1) < cos_th
        else:
            ang_term = jnp.zeros((Bb,), dtype=bool)
        # FA termination (nearest-voxel lookup into fa_map)
        vox = jnp.clip(jnp.round(pos).astype(jnp.int32), 0, VOL - 1)
        fa = fa_map[vox[:, 0], vox[:, 1], vox[:, 2]]
        term_now = ang_term | (fa < FA_TH)
        terminated = terminated | term_now
        next_pos = pos + STEP_SIZE * nd
        # streamlines[~terminated, step+1, :] = next_positions[~terminated, :]
        new_col = jnp.where(terminated[:, None], streamlines[:, step + 1, :], next_pos)
        streamlines = streamlines.at[:, step + 1, :].set(new_col)
        # padding_mask[:, step+1] &= terminated_streamlines
        padding_mask = padding_mask.at[:, step + 1].set(padding_mask[:, step + 1] & terminated)
        prev_dir = jnp.where(terminated[:, None], prev_dir, nd)
    lengths = (~padding_mask).sum(axis=1)
    return streamlines, lengths


def reference(seed_points, sphere, W1, b1, W2, fa_map):
    return _track(seed_points, sphere, W1, b1, W2, fa_map)

if __name__ == "__main__":
    import jax
    _d = setup_inputs()
    print(jax.jit(kernel)(*tuple(_d.values())))

</pallas_src>

<mosaic_0001>
#map = affine_map<(d0, d1) -> (0, 0, 0)>
#map1 = affine_map<(d0, d1) -> (0)>
module attributes {stable_mosaic.version = 14 : i64} {
  func.func @gather_k(%arg0: i32, %arg1: i32, %arg2: memref<32x16x128xi32, #tpu.memory_space<hbm>>, %arg3: memref<884736xf32, #tpu.memory_space<hbm>>, %arg4: memref<32x16x128xf32, #tpu.memory_space<hbm>>, %arg5: memref<16x128xi32, #tpu.memory_space<vmem>>, %arg6: memref<16x128xf32, #tpu.memory_space<vmem>>, %arg7: memref<!tpu.dma_semaphore, #tpu.memory_space<semaphore_mem>>) attributes {dimension_semantics = [#tpu.dimension_semantics<core_parallel>, #tpu.dimension_semantics<subcore_parallel>], iteration_bounds = array<i64: 2, 16>, scalar_prefetch = 0 : i64, scratch_operands = 3 : i64, tpu.core_type = #tpu.core_type<sc_vector_subcore>, window_params = [{transform_indices = #map}, {transform_indices = #map1}, {transform_indices = #map}]} {
    %mul3A = arith.constant 2 : i32
    %mul3A_0 = arith.muli %arg1, %mul3A : i32
    %add3A = arith.addi %mul3A_0, %arg0 : i32
    "tpu.region"() ({
      %run_scoped3A = tpu.sem_alloc : memref<!tpu.dma_semaphore, #tpu.memory_space<semaphore_mem>>
      %dma_start3A_319 = arith.constant 0 : i32
      %dma_start3A_320 = arith.constant 0 : i32
      %dma_start3A_321 = tpu.memref_slice %arg2[%add3A, %dma_start3A_319, %dma_start3A_320] : memref<32x16x128xi32, #tpu.memory_space<hbm>> -> memref<1x16x128xi32, #tpu.memory_space<hbm>>
      %dma_start3A_322 = tpu.memref_squeeze %dma_start3A_321 : memref<1x16x128xi32, #tpu.memory_space<hbm>> -> memref<16x128xi32, #tpu.memory_space<hbm>>
      %dma_start3A_323 = arith.constant 0 : i32
      %dma_start3A_324 = arith.constant 0 : i32
      %dma_start3A_325 = tpu.memref_slice %arg2[%add3A, %dma_start3A_323, %dma_start3A_324] : memref<32x16x128xi32, #tpu.memory_space<hbm>> -> memref<1x16x128xi32, #tpu.memory_space<hbm>>
      %dma_start3A_326 = tpu.memref_squeeze %dma_start3A_325 : memref<1x16x128xi32, #tpu.memory_space<hbm>> -> memref<16x128xi32, #tpu.memory_space<hbm>>
      tpu.enqueue_dma source(%dma_start3A_326 : memref<16x128xi32, #tpu.memory_space<hbm>>) target(%arg5 : memref<16x128xi32, #tpu.memory_space<vmem>>) target_semaphore(%run_scoped3A : memref<!tpu.dma_semaphore, #tpu.memory_space<semaphore_mem>>)
      %dma_wait3A_327 = arith.constant 0 : i32
      %dma_wait3A_328 = arith.constant 0 : i32
      %dma_wait3A_329 = tpu.memref_slice %arg2[%add3A, %dma_wait3A_327, %dma_wait3A_328] : memref<32x16x128xi32, #tpu.memory_space<hbm>> -> memref<1x16x128xi32, #tpu.memory_space<hbm>>
      %dma_wait3A_330 = tpu.memref_squeeze %dma_wait3A_329 : memref<1x16x128xi32, #tpu.memory_space<hbm>> -> memref<16x128xi32, #tpu.memory_space<hbm>>
      %dma_wait3A_331 = arith.constant 0 : i32
      %dma_wait3A_332 = arith.constant 0 : i32
      %dma_wait3A_333 = tpu.memref_slice %arg2[%add3A, %dma_wait3A_331, %dma_wait3A_332] : memref<32x16x128xi32, #tpu.memory_space<hbm>> -> memref<1x16x128xi32, #tpu.memory_space<hbm>>
      %dma_wait3A_334 = tpu.memref_squeeze %dma_wait3A_333 : memref<1x16x128xi32, #tpu.memory_space<hbm>> -> memref<16x128xi32, #tpu.memory_space<hbm>>
      tpu.wait_dma2 semaphore(%run_scoped3A : memref<!tpu.dma_semaphore, #tpu.memory_space<semaphore_mem>>) src(%dma_wait3A_334 : memref<16x128xi32, #tpu.memory_space<hbm>>) dst(%arg5 : memref<16x128xi32, #tpu.memory_space<vmem>>)
      tpu.yield
    }) : () -> ()
    %dma_start3A = arith.constant 0 : i32
    %dma_start3A_1 = arith.constant 0 : i32
    %dma_start3A_2 = arith.constant 0 : i32
    %dma_start3A_3 = tpu.memref_slice %arg6[%dma_start3A_1, %dma_start3A_2] : memref<16x128xf32, #tpu.memory_space<vmem>> -> memref<1x128xf32, #tpu.memory_space<vmem>>
    %dma_start3A_4 = tpu.memref_squeeze %dma_start3A_3 : memref<1x128xf32, #tpu.memory_space<vmem>> -> memref<128xf32, #tpu.memory_space<vmem>>
    %dma_start3A_5 = arith.constant 0 : i32
    %dma_start3A_6 = tpu.memref_slice %arg5[%dma_start3A, %dma_start3A_5] : memref<16x128xi32, #tpu.memory_space<vmem>> -> memref<1x128xi32, #tpu.memory_space<vmem>>
    %dma_start3A_7 = tpu.memref_squeeze %dma_start3A_6 : memref<1x128xi32, #tpu.memory_space<vmem>> -> memref<128xi32, #tpu.memory_space<vmem>>
    %dma_start3A_8 = arith.constant 0 : i32
    %dma_start3A_9 = tpu.memref_slice %arg3[%dma_start3A_8] : memref<884736xf32, #tpu.memory_space<hbm>> -> memref<884736xf32, #tpu.memory_space<hbm>>
    tpu.enqueue_indirect_dma source(%dma_start3A_9 : memref<884736xf32, #tpu.memory_space<hbm>>) target(%dma_start3A_4 : memref<128xf32, #tpu.memory_space<vmem>>) offsets(%dma_start3A_7 : memref<128xi32, #tpu.memory_space<vmem>>) semaphore(%arg7 : memref<!tpu.dma_semaphore, #tpu.memory_space<semaphore_mem>>)
    %dma_start3A_10 = arith.constant 1 : i32
    %dma_start3A_11 = arith.constant 1 : i32
    %dma_start3A_12 = arith.constant 0 : i32
    %dma_start3A_13 = tpu.memref_slice %arg6[%dma_start3A_11, %dma_start3A_12] : memref<16x128xf32, #tpu.memory_space<vmem>> -> memref<1x128xf32, #tpu.memory_space<vmem>>
    %dma_start3A_14 = tpu.memref_squeeze %dma_start3A_13 : memref<1x128xf32, #tpu.memory_space<vmem>> -> memref<128xf32, #tpu.memory_space<vmem>>
    %dma_start3A_15 = arith.constant 0 : i32
    %dma_start3A_16 = tpu.memref_slice %arg5[%dma_start3A_10, %dma_start3A_15] : memref<16x128xi32, #tpu.memory_space<vmem>> -> memref<1x128xi32, #tpu.memory_space<vmem>>
    %dma_start3A_17 = tpu.memref_squeeze %dma_start3A_16 : memref<1x128xi32, #tpu.memory_space<vmem>> -> memref<128xi32, #tpu.memory_space<vmem>>
    %dma_start3A_18 = arith.constant 0 : i32
    %dma_start3A_19 = tpu.memref_slice %arg3[%dma_start3A_18] : memref<884736xf32, #tpu.memory_space<hbm>> -> memref<884736xf32, #tpu.memory_space<hbm>>
    tpu.enqueue_indirect_dma source(%dma_start3A_19 : memref<884736xf32, #tpu.memory_space<hbm>>) target(%dma_start3A_14 : memref<128xf32, #tpu.memory_space<vmem>>) offsets(%dma_start3A_17 : memref<128xi32, #tpu.memory_space<vmem>>) semaphore(%arg7 : memref<!tpu.dma_semaphore, #tpu.memory_space<semaphore_mem>>)
    %dma_start3A_20 = arith.constant 2 : i32
    %dma_start3A_21 = arith.constant 2 : i32
    %dma_start3A_22 = arith.constant 0 : i32
    %dma_start3A_23 = tpu.memref_slice %arg6[%dma_start3A_21, %dma_start3A_22] : memref<16x128xf32, #tpu.memory_space<vmem>> -> memref<1x128xf32, #tpu.memory_space<vmem>>
    %dma_start3A_24 = tpu.memref_squeeze %dma_start3A_23 : memref<1x128xf32, #tpu.memory_space<vmem>> -> memref<128xf32, #tpu.memory_space<vmem>>
    %dma_start3A_25 = arith.constant 0 : i32
    %dma_start3A_26 = tpu.memref_slice %arg5[%dma_start3A_20, %dma_start3A_25] : memref<16x128xi32, #tpu.memory_space<vmem>> -> memref<1x128xi32, #tpu.memory_space<vmem>>
    %dma_start3A_27 = tpu.memref_squeeze %dma_start3A_26 : memref<1x128xi32, #tpu.memory_space<vmem>> -> memref<128xi32, #tpu.memory_space<vmem>>
    %dma_start3A_28 = arith.constant 0 : i32
    %dma_start3A_29 = tpu.memref_slice %arg3[%dma_start3A_28] : memref<884736xf32, #tpu.memory_space<hbm>> -> memref<884736xf32, #tpu.memory_space<hbm>>
    tpu.enqueue_indirect_dma source(%dma_start3A_29 : memref<884736xf32, #tpu.memory_space<hbm>>) target(%dma_start3A_24 : memref<128xf32, #tpu.memory_space<vmem>>) offsets(%dma_start3A_27 : memref<128xi32, #tpu.memory_space<vmem>>) semaphore(%arg7 : memref<!tpu.dma_semaphore, #tpu.memory_space<semaphore_mem>>)
    %dma_start3A_30 = arith.constant 3 : i32
    %dma_start3A_31 = arith.constant 3 : i32
    %dma_start3A_32 = arith.constant 0 : i32
    %dma_start3A_33 = tpu.memref_slice %arg6[%dma_start3A_31, %dma_start3A_32] : memref<16x128xf32, #tpu.memory_space<vmem>> -> memref<1x128xf32, #tpu.memory_space<vmem>>
    %dma_start3A_34 = tpu.memref_squeeze %dma_start3A_33 : memref<1x128xf32, #tpu.memory_space<vmem>> -> memref<128xf32, #tpu.memory_space<vmem>>
    %dma_start3A_35 = arith.constant 0 : i32
    %dma_start3A_36 = tpu.memref_slice %arg5[%dma_start3A_30, %dma_start3A_35] : memref<16x128xi32, #tpu.memory_space<vmem>> -> memref<1x128xi32, #tpu.memory_space<vmem>>
    %dma_start3A_37 = tpu.memref_squeeze %dma_start3A_36 : memref<1x128xi32, #tpu.memory_space<vmem>> -> memref<128xi32, #tpu.memory_space<vmem>>
    %dma_start3A_38 = arith.constant 0 : i32
    %dma_start3A_39 = tpu.memref_slice %arg3[%dma_start3A_38] : memref<884736xf32, #tpu.memory_space<hbm>> -> memref<884736xf32, #tpu.memory_space<hbm>>
    tpu.enqueue_indirect_dma source(%dma_start3A_39 : memref<884736xf32, #tpu.memory_space<hbm>>) target(%dma_start3A_34 : memref<128xf32, #tpu.memory_space<vmem>>) offsets(%dma_start3A_37 : memref<128xi32, #tpu.memory_space<vmem>>) semaphore(%arg7 : memref<!tpu.dma_semaphore, #tpu.memory_space<semaphore_mem>>)
    %dma_start3A_40 = arith.constant 4 : i32
    %dma_start3A_41 = arith.constant 4 : i32
    %dma_start3A_42 = arith.constant 0 : i32
    %dma_start3A_43 = tpu.memref_slice %arg6[%dma_start3A_41, %dma_start3A_42] : memref<16x128xf32, #tpu.memory_space<vmem>> -> memref<1x128xf32, #tpu.memory_space<vmem>>
    %dma_start3A_44 = tpu.memref_squeeze %dma_start3A_43 : memref<1x128xf32, #tpu.memory_space<vmem>> -> memref<128xf32, #tpu.memory_space<vmem>>
    %dma_start3A_45 = arith.constant 0 : i32
    %dma_start3A_46 = tpu.memref_slice %arg5[%dma_start3A_40, %dma_start3A_45] : memref<16x128xi32, #tpu.memory_space<vmem>> -> memref<1x128xi32, #tpu.memory_space<vmem>>
    %dma_start3A_47 = tpu.memref_squeeze %dma_start3A_46 : memref<1x128xi32, #tpu.memory_space<vmem>> -> memref<128xi32, #tpu.memory_space<vmem>>
    %dma_start3A_48 = arith.constant 0 : i32
    %dma_start3A_49 = tpu.memref_slice %arg3[%dma_start3A_48] : memref<884736xf32, #tpu.memory_space<hbm>> -> memref<884736xf32, #tpu.memory_space<hbm>>
    tpu.enqueue_indirect_dma source(%dma_start3A_49 : memref<884736xf32, #tpu.memory_space<hbm>>) target(%dma_start3A_44 : memref<128xf32, #tpu.memory_space<vmem>>) offsets(%dma_start3A_47 : memref<128xi32, #tpu.memory_space<vmem>>) semaphore(%arg7 : memref<!tpu.dma_semaphore, #tpu.memory_space<semaphore_mem>>)
    %dma_start3A_50 = arith.constant 5 : i32
    %dma_start3A_51 = arith.constant 5 : i32
    %dma_start3A_52 = arith.constant 0 : i32
    %dma_start3A_53 = tpu.memref_slice %arg6[%dma_start3A_51, %dma_start3A_52] : memref<16x128xf32, #tpu.memory_space<vmem>> -> memref<1x128xf32, #tpu.memory_space<vmem>>
    %dma_start3A_54 = tpu.memref_squeeze %dma_start3A_53 : memref<1x128xf32, #tpu.memory_space<vmem>> -> memref<128xf32, #tpu.memory_space<vmem>>
    %dma_start3A_55 = arith.constant 0 : i32
    %dma_start3A_56 = tpu.memref_slice %arg5[%dma_start3A_50, %dma_start3A_55] : memref<16x128xi32, #tpu.memory_space<vmem>> -> memref<1x128xi32, #tpu.memory_space<vmem>>
    %dma_start3A_57 = tpu.memref_squeeze %dma_start3A_56 : memref<1x128xi32, #tpu.memory_space<vmem>> -> memref<128xi32, #tpu.memory_space<vmem>>
    %dma_start3A_58 = arith.constant 0 : i32
    %dma_start3A_59 = tpu.memref_slice %arg3[%dma_start3A_58] : memref<884736xf32, #tpu.memory_space<hbm>> -> memref<884736xf32, #tpu.memory_space<hbm>>
    tpu.enqueue_indirect_dma source(%dma_start3A_59 : memref<884736xf32, #tpu.memory_space<hbm>>) target(%dma_start3A_54 : memref<128xf32, #tpu.memory_space<vmem>>) offsets(%dma_start3A_57 : memref<128xi32, #tpu.memory_space<vmem>>) semaphore(%arg7 : memref<!tpu.dma_semaphore, #tpu.memory_space<semaphore_mem>>)
    %dma_start3A_60 = arith.constant 6 : i32
    %dma_start3A_61 = arith.constant 6 : i32
    %dma_start3A_62 = arith.constant 0 : i32
    %dma_start3A_63 = tpu.memref_slice %arg6[%dma_start3A_61, %dma_start3A_62] : memref<16x128xf32, #tpu.memory_space<vmem>> -> memref<1x128xf32, #tpu.memory_space<vmem>>
    %dma_start3A_64 = tpu.memref_squeeze %dma_start3A_63 : memref<1x128xf32, #tpu.memory_space<vmem>> -> memref<128xf32, #tpu.memory_space<vmem>>
    %dma_start3A_65 = arith.constant 0 : i32
    %dma_start3A_66 = tpu.memref_slice %arg5[%dma_start3A_60, %dma_start3A_65] : memref<16x128xi32, #tpu.memory_space<vmem>> -> memref<1x128xi32, #tpu.memory_space<vmem>>
    %dma_start3A_67 = tpu.memref_squeeze %dma_start3A_66 : memref<1x128xi32, #tpu.memory_space<vmem>> -> memref<128xi32, #tpu.memory_space<vmem>>
    %dma_start3A_68 = arith.constant 0 : i32
    %dma_start3A_69 = tpu.memref_slice %arg3[%dma_start3A_68] : memref<884736xf32, #tpu.memory_space<hbm>> -> memref<884736xf32, #tpu.memory_space<hbm>>
    tpu.enqueue_indirect_dma source(%dma_start3A_69 : memref<884736xf32, #tpu.memory_space<hbm>>) target(%dma_start3A_64 : memref<128xf32, #tpu.memory_space<vmem>>) offsets(%dma_start3A_67 : memref<128xi32, #tpu.memory_space<vmem>>) semaphore(%arg7 : memref<!tpu.dma_semaphore, #tpu.memory_space<semaphore_mem>>)
    %dma_start3A_70 = arith.constant 7 : i32
    %dma_start3A_71 = arith.constant 7 : i32
    %dma_start3A_72 = arith.constant 0 : i32
    %dma_start3A_73 = tpu.memref_slice %arg6[%dma_start3A_71, %dma_start3A_72] : memref<16x128xf32, #tpu.memory_space<vmem>> -> memref<1x128xf32, #tpu.memory_space<vmem>>
    %dma_start3A_74 = tpu.memref_squeeze %dma_start3A_73 : memref<1x128xf32, #tpu.memory_space<vmem>> -> memref<128xf32, #tpu.memory_space<vmem>>
    %dma_start3A_75 = arith.constant 0 : i32
    %dma_start3A_76 = tpu.memref_slice %arg5[%dma_start3A_70, %dma_start3A_75] : memref<16x128xi32, #tpu.memory_space<vmem>> -> memref<1x128xi32, #tpu.memory_space<vmem>>
    %dma_start3A_77 = tpu.memref_squeeze %dma_start3A_76 : memref<1x128xi32, #tpu.memory_space<vmem>> -> memref<128xi32, #tpu.memory_space<vmem>>
    %dma_start3A_78 = arith.constant 0 : i32
    %dma_start3A_79 = tpu.memref_slice %arg3[%dma_start3A_78] : memref<884736xf32, #tpu.memory_space<hbm>> -> memref<884736xf32, #tpu.memory_space<hbm>>
    tpu.enqueue_indirect_dma source(%dma_start3A_79 : memref<884736xf32, #tpu.memory_space<hbm>>) target(%dma_start3A_74 : memref<128xf32, #tpu.memory_space<vmem>>) offsets(%dma_start3A_77 : memref<128xi32, #tpu.memory_space<vmem>>) semaphore(%arg7 : memref<!tpu.dma_semaphore, #tpu.memory_space<semaphore_mem>>)
    %dma_start3A_80 = arith.constant 8 : i32
    %dma_start3A_81 = arith.constant 8 : i32
    %dma_start3A_82 = arith.constant 0 : i32
    %dma_start3A_83 = tpu.memref_slice %arg6[%dma_start3A_81, %dma_start3A_82] : memref<16x128xf32, #tpu.memory_space<vmem>> -> memref<1x128xf32, #tpu.memory_space<vmem>>
    %dma_start3A_84 = tpu.memref_squeeze %dma_start3A_83 : memref<1x128xf32, #tpu.memory_space<vmem>> -> memref<128xf32, #tpu.memory_space<vmem>>
    %dma_start3A_85 = arith.constant 0 : i32
    %dma_start3A_86 = tpu.memref_slice %arg5[%dma_start3A_80, %dma_start3A_85] : memref<16x128xi32, #tpu.memory_space<vmem>> -> memref<1x128xi32, #tpu.memory_space<vmem>>
    %dma_start3A_87 = tpu.memref_squeeze %dma_start3A_86 : memref<1x128xi32, #tpu.memory_space<vmem>> -> memref<128xi32, #tpu.memory_space<vmem>>
    %dma_start3A_88 = arith.constant 0 : i32
    %dma_start3A_89 = tpu.memref_slice %arg3[%dma_start3A_88] : memref<884736xf32, #tpu.memory_space<hbm>> -> memref<884736xf32, #tpu.memory_space<hbm>>
    tpu.enqueue_indirect_dma source(%dma_start3A_89 : memref<884736xf32, #tpu.memory_space<hbm>>) target(%dma_start3A_84 : memref<128xf32, #tpu.memory_space<vmem>>) offsets(%dma_start3A_87 : memref<128xi32, #tpu.memory_space<vmem>>) semaphore(%arg7 : memref<!tpu.dma_semaphore, #tpu.memory_space<semaphore_mem>>)
    %dma_start3A_90 = arith.constant 9 : i32
    %dma_start3A_91 = arith.constant 9 : i32
    %dma_start3A_92 = arith.constant 0 : i32
    %dma_start3A_93 = tpu.memref_slice %arg6[%dma_start3A_91, %dma_start3A_92] : memref<16x128xf32, #tpu.memory_space<vmem>> -> memref<1x128xf32, #tpu.memory_space<vmem>>
    %dma_start3A_94 = tpu.memref_squeeze %dma_start3A_93 : memref<1x128xf32, #tpu.memory_space<vmem>> -> memref<128xf32, #tpu.memory_space<vmem>>
    %dma_start3A_95 = arith.constant 0 : i32
    %dma_start3A_96 = tpu.memref_slice %arg5[%dma_start3A_90, %dma_start3A_95] : memref<16x128xi32, #tpu.memory_space<vmem>> -> memref<1x128xi32, #tpu.memory_space<vmem>>
    %dma_start3A_97 = tpu.memref_squeeze %dma_start3A_96 : memref<1x128xi32, #tpu.memory_space<vmem>> -> memref<128xi32, #tpu.memory_space<vmem>>
    %dma_start3A_98 = arith.constant 0 : i32
    %dma_start3A_99 = tpu.memref_slice %arg3[%dma_start3A_98] : memref<884736xf32, #tpu.memory_space<hbm>> -> memref<884736xf32, #tpu.memory_space<hbm>>
    tpu.enqueue_indirect_dma source(%dma_start3A_99 : memref<884736xf32, #tpu.memory_space<hbm>>) target(%dma_start3A_94 : memref<128xf32, #tpu.memory_space<vmem>>) offsets(%dma_start3A_97 : memref<128xi32, #tpu.memory_space<vmem>>) semaphore(%arg7 : memref<!tpu.dma_semaphore, #tpu.memory_space<semaphore_mem>>)
    %dma_start3A_100 = arith.constant 10 : i32
    %dma_start3A_101 = arith.constant 10 : i32
    %dma_start3A_102 = arith.constant 0 : i32
    %dma_start3A_103 = tpu.memref_slice %arg6[%dma_start3A_101, %dma_start3A_102] : memref<16x128xf32, #tpu.memory_space<vmem>> -> memref<1x128xf32, #tpu.memory_space<vmem>>
    %dma_start3A_104 = tpu.memref_squeeze %dma_start3A_103 : memref<1x128xf32, #tpu.memory_space<vmem>> -> memref<128xf32, #tpu.memory_space<vmem>>
    %dma_start3A_105 = arith.constant 0 : i32
    %dma_start3A_106 = tpu.memref_slice %arg5[%dma_start3A_100, %dma_start3A_105] : memref<16x128xi32, #tpu.memory_space<vmem>> -> memref<1x128xi32, #tpu.memory_space<vmem>>
    %dma_start3A_107 = tpu.memref_squeeze %dma_start3A_106 : memref<1x128xi32, #tpu.memory_space<vmem>> -> memref<128xi32, #tpu.memory_space<vmem>>
    %dma_start3A_108 = arith.constant 0 : i32
    %dma_start3A_109 = tpu.memref_slice %arg3[%dma_start3A_108] : memref<884736xf32, #tpu.memory_space<hbm>> -> memref<884736xf32, #tpu.memory_space<hbm>>
    tpu.enqueue_indirect_dma source(%dma_start3A_109 : memref<884736xf32, #tpu.memory_space<hbm>>) target(%dma_start3A_104 : memref<128xf32, #tpu.memory_space<vmem>>) offsets(%dma_start3A_107 : memref<128xi32, #tpu.memory_space<vmem>>) semaphore(%arg7 : memref<!tpu.dma_semaphore, #tpu.memory_space<semaphore_mem>>)
    %dma_start3A_110 = arith.constant 11 : i32
    %dma_start3A_111 = arith.constant 11 : i32
    %dma_start3A_112 = arith.constant 0 : i32
    %dma_start3A_113 = tpu.memref_slice %arg6[%dma_start3A_111, %dma_start3A_112] : memref<16x128xf32, #tpu.memory_space<vmem>> -> memref<1x128xf32, #tpu.memory_space<vmem>>
    %dma_start3A_114 = tpu.memref_squeeze %dma_start3A_113 : memref<1x128xf32, #tpu.memory_space<vmem>> -> memref<128xf32, #tpu.memory_space<vmem>>
    %dma_start3A_115 = arith.constant 0 : i32
    %dma_start3A_116 = tpu.memref_slice %arg5[%dma_start3A_110, %dma_start3A_115] : memref<16x128xi32, #tpu.memory_space<vmem>> -> memref<1x128xi32, #tpu.memory_space<vmem>>
    %dma_start3A_117 = tpu.memref_squeeze %dma_start3A_116 : memref<1x128xi32, #tpu.memory_space<vmem>> -> memref<128xi32, #tpu.memory_space<vmem>>
    %dma_start3A_118 = arith.constant 0 : i32
    %dma_start3A_119 = tpu.memref_slice %arg3[%dma_start3A_118] : memref<884736xf32, #tpu.memory_space<hbm>> -> memref<884736xf32, #tpu.memory_space<hbm>>
    tpu.enqueue_indirect_dma source(%dma_start3A_119 : memref<884736xf32, #tpu.memory_space<hbm>>) target(%dma_start3A_114 : memref<128xf32, #tpu.memory_space<vmem>>) offsets(%dma_start3A_117 : memref<128xi32, #tpu.memory_space<vmem>>) semaphore(%arg7 : memref<!tpu.dma_semaphore, #tpu.memory_space<semaphore_mem>>)
    %dma_start3A_120 = arith.constant 12 : i32
    %dma_start3A_121 = arith.constant 12 : i32
    %dma_start3A_122 = arith.constant 0 : i32
    %dma_start3A_123 = tpu.memref_slice %arg6[%dma_start3A_121, %dma_start3A_122] : memref<16x128xf32, #tpu.memory_space<vmem>> -> memref<1x128xf32, #tpu.memory_space<vmem>>
    %dma_start3A_124 = tpu.memref_squeeze %dma_start3A_123 : memref<1x128xf32, #tpu.memory_space<vmem>> -> memref<128xf32, #tpu.memory_space<vmem>>
    %dma_start3A_125 = arith.constant 0 : i32
    %dma_start3A_126 = tpu.memref_slice %arg5[%dma_start3A_120, %dma_start3A_125] : memref<16x128xi32, #tpu.memory_space<vmem>> -> memref<1x128xi32, #tpu.memory_space<vmem>>
    %dma_start3A_127 = tpu.memref_squeeze %dma_start3A_126 : memref<1x128xi32, #tpu.memory_space<vmem>> -> memref<128xi32, #tpu.memory_space<vmem>>
    %dma_start3A_128 = arith.constant 0 : i32
    %dma_start3A_129 = tpu.memref_slice %arg3[%dma_start3A_128] : memref<884736xf32, #tpu.memory_space<hbm>> -> memref<884736xf32, #tpu.memory_space<hbm>>
    tpu.enqueue_indirect_dma source(%dma_start3A_129 : memref<884736xf32, #tpu.memory_space<hbm>>) target(%dma_start3A_124 : memref<128xf32, #tpu.memory_space<vmem>>) offsets(%dma_start3A_127 : memref<128xi32, #tpu.memory_space<vmem>>) semaphore(%arg7 : memref<!tpu.dma_semaphore, #tpu.memory_space<semaphore_mem>>)
    %dma_start3A_130 = arith.constant 13 : i32
    %dma_start3A_131 = arith.constant 13 : i32
    %dma_start3A_132 = arith.constant 0 : i32
    %dma_start3A_133 = tpu.memref_slice %arg6[%dma_start3A_131, %dma_start3A_132] : memref<16x128xf32, #tpu.memory_space<vmem>> -> memref<1x128xf32, #tpu.memory_space<vmem>>
    %dma_start3A_134 = tpu.memref_squeeze %dma_start3A_133 : memref<1x128xf32, #tpu.memory_space<vmem>> -> memref<128xf32, #tpu.memory_space<vmem>>
    %dma_start3A_135 = arith.constant 0 : i32
    %dma_start3A_136 = tpu.memref_slice %arg5[%dma_start3A_130, %dma_start3A_135] : memref<16x128xi32, #tpu.memory_space<vmem>> -> memref<1x128xi32, #tpu.memory_space<vmem>>
    %dma_start3A_137 = tpu.memref_squeeze %dma_start3A_136 : memref<1x128xi32, #tpu.memory_space<vmem>> -> memref<128xi32, #tpu.memory_space<vmem>>
    %dma_start3A_138 = arith.constant 0 : i32
    %dma_start3A_139 = tpu.memref_slice %arg3[%dma_start3A_138] : memref<884736xf32, #tpu.memory_space<hbm>> -> memref<884736xf32, #tpu.memory_space<hbm>>
    tpu.enqueue_indirect_dma source(%dma_start3A_139 : memref<884736xf32, #tpu.memory_space<hbm>>) target(%dma_start3A_134 : memref<128xf32, #tpu.memory_space<vmem>>) offsets(%dma_start3A_137 : memref<128xi32, #tpu.memory_space<vmem>>) semaphore(%arg7 : memref<!tpu.dma_semaphore, #tpu.memory_space<semaphore_mem>>)
    %dma_start3A_140 = arith.constant 14 : i32
    %dma_start3A_141 = arith.constant 14 : i32
    %dma_start3A_142 = arith.constant 0 : i32
    %dma_start3A_143 = tpu.memref_slice %arg6[%dma_start3A_141, %dma_start3A_142] : memref<16x128xf32, #tpu.memory_space<vmem>> -> memref<1x128xf32, #tpu.memory_space<vmem>>
    %dma_start3A_144 = tpu.memref_squeeze %dma_start3A_143 : memref<1x128xf32, #tpu.memory_space<vmem>> -> memref<128xf32, #tpu.memory_space<vmem>>
    %dma_start3A_145 = arith.constant 0 : i32
    %dma_start3A_146 = tpu.memref_slice %arg5[%dma_start3A_140, %dma_start3A_145] : memref<16x128xi32, #tpu.memory_space<vmem>> -> memref<1x128xi32, #tpu.memory_space<vmem>>
    %dma_start3A_147 = tpu.memref_squeeze %dma_start3A_146 : memref<1x128xi32, #tpu.memory_space<vmem>> -> memref<128xi32, #tpu.memory_space<vmem>>
    %dma_start3A_148 = arith.constant 0 : i32
    %dma_start3A_149 = tpu.memref_slice %arg3[%dma_start3A_148] : memref<884736xf32, #tpu.memory_space<hbm>> -> memref<884736xf32, #tpu.memory_space<hbm>>
    tpu.enqueue_indirect_dma source(%dma_start3A_149 : memref<884736xf32, #tpu.memory_space<hbm>>) target(%dma_start3A_144 : memref<128xf32, #tpu.memory_space<vmem>>) offsets(%dma_start3A_147 : memref<128xi32, #tpu.memory_space<vmem>>) semaphore(%arg7 : memref<!tpu.dma_semaphore, #tpu.memory_space<semaphore_mem>>)
    %dma_start3A_150 = arith.constant 15 : i32
    %dma_start3A_151 = arith.constant 15 : i32
    %dma_start3A_152 = arith.constant 0 : i32
    %dma_start3A_153 = tpu.memref_slice %arg6[%dma_start3A_151, %dma_start3A_152] : memref<16x128xf32, #tpu.memory_space<vmem>> -> memref<1x128xf32, #tpu.memory_space<vmem>>
    %dma_start3A_154 = tpu.memref_squeeze %dma_start3A_153 : memref<1x128xf32, #tpu.memory_space<vmem>> -> memref<128xf32, #tpu.memory_space<vmem>>
    %dma_start3A_155 = arith.constant 0 : i32
    %dma_start3A_156 = tpu.memref_slice %arg5[%dma_start3A_150, %dma_start3A_155] : memref<16x128xi32, #tpu.memory_space<vmem>> -> memref<1x128xi32, #tpu.memory_space<vmem>>
    %dma_start3A_157 = tpu.memref_squeeze %dma_start3A_156 : memref<1x128xi32, #tpu.memory_space<vmem>> -> memref<128xi32, #tpu.memory_space<vmem>>
    %dma_start3A_158 = arith.constant 0 : i32
    %dma_start3A_159 = tpu.memref_slice %arg3[%dma_start3A_158] : memref<884736xf32, #tpu.memory_space<hbm>> -> memref<884736xf32, #tpu.memory_space<hbm>>
    tpu.enqueue_indirect_dma source(%dma_start3A_159 : memref<884736xf32, #tpu.memory_space<hbm>>) target(%dma_start3A_154 : memref<128xf32, #tpu.memory_space<vmem>>) offsets(%dma_start3A_157 : memref<128xi32, #tpu.memory_space<vmem>>) semaphore(%arg7 : memref<!tpu.dma_semaphore, #tpu.memory_space<semaphore_mem>>)
    %dma_wait3A = arith.constant 0 : i32
    %dma_wait3A_160 = arith.constant 0 : i32
    %dma_wait3A_161 = arith.constant 0 : i32
    %dma_wait3A_162 = tpu.memref_slice %arg6[%dma_wait3A_160, %dma_wait3A_161] : memref<16x128xf32, #tpu.memory_space<vmem>> -> memref<1x128xf32, #tpu.memory_space<vmem>>
    %dma_wait3A_163 = tpu.memref_squeeze %dma_wait3A_162 : memref<1x128xf32, #tpu.memory_space<vmem>> -> memref<128xf32, #tpu.memory_space<vmem>>
    %dma_wait3A_164 = arith.constant 0 : i32
    %dma_wait3A_165 = tpu.memref_slice %arg5[%dma_wait3A, %dma_wait3A_164] : memref<16x128xi32, #tpu.memory_space<vmem>> -> memref<1x128xi32, #tpu.memory_space<vmem>>
    %dma_wait3A_166 = tpu.memref_squeeze %dma_wait3A_165 : memref<1x128xi32, #tpu.memory_space<vmem>> -> memref<128xi32, #tpu.memory_space<vmem>>
    %dma_wait3A_167 = arith.constant 0 : i32
    %dma_wait3A_168 = tpu.memref_slice %arg3[%dma_wait3A_167] : memref<884736xf32, #tpu.memory_space<hbm>> -> memref<884736xf32, #tpu.memory_space<hbm>>
    tpu.wait_indirect_dma semaphore(%arg7 : memref<!tpu.dma_semaphore, #tpu.memory_space<semaphore_mem>>) src(%dma_wait3A_168 : memref<884736xf32, #tpu.memory_space<hbm>>) dst(%dma_wait3A_163 : memref<128xf32, #tpu.memory_space<vmem>>)
    %dma_wait3A_169 = arith.constant 1 : i32
    %dma_wait3A_170 = arith.constant 1 : i32
    %dma_wait3A_171 = arith.constant 0 : i32
    %dma_wait3A_172 = tpu.memref_slice %arg6[%dma_wait3A_170, %dma_wait3A_171] : memref<16x128xf32, #tpu.memory_space<vmem>> -> memref<1x128xf32, #tpu.memory_space<vmem>>
    %dma_wait3A_173 = tpu.memref_squeeze %dma_wait3A_172 : memref<1x128xf32, #tpu.memory_space<vmem>> -> memref<128xf32, #tpu.memory_space<vmem>>
    %dma_wait3A_174 = arith.constant 0 : i32
    %dma_wait3A_175 = tpu.memref_slice %arg5[%dma_wait3A_169, %dma_wait3A_174] : memref<16x128xi32, #tpu.memory_space<vmem>> -> memref<1x128xi32, #tpu.memory_space<vmem>>
    %dma_wait3A_176 = tpu.memref_squeeze %dma_wait3A_175 : memref<1x128xi32, #tpu.memory_space<vmem>> -> memref<128xi32, #tpu.memory_space<vmem>>
    %dma_wait3A_177 = arith.constant 0 : i32
    %dma_wait3A_178 = tpu.memref_slice %arg3[%dma_wait3A_177] : memref<884736xf32, #tpu.memory_space<hbm>> -> memref<884736xf32, #tpu.memory_space<hbm>>
    tpu.wait_indirect_dma semaphore(%arg7 : memref<!tpu.dma_semaphore, #tpu.memory_space<semaphore_mem>>) src(%dma_wait3A_178 : memref<884736xf32, #tpu.memory_space<hbm>>) dst(%dma_wait3A_173 : memref<128xf32, #tpu.memory_space<vmem>>)
    %dma_wait3A_179 = arith.constant 2 : i32
    %dma_wait3A_180 = arith.constant 2 : i32
    %dma_wait3A_181 = arith.constant 0 : i32
    %dma_wait3A_182 = tpu.memref_slice %arg6[%dma_wait3A_180, %dma_wait3A_181] : memref<16x128xf32, #tpu.memory_space<vmem>> -> memref<1x128xf32, #tpu.memory_space<vmem>>
    %dma_wait3A_183 = tpu.memref_squeeze %dma_wait3A_182 : memref<1x128xf32, #tpu.memory_space<vmem>> -> memref<128xf32, #tpu.memory_space<vmem>>
    %dma_wait3A_184 = arith.constant 0 : i32
    %dma_wait3A_185 = tpu.memref_slice %arg5[%dma_wait3A_179, %dma_wait3A_184] : memref<16x128xi32, #tpu.memory_space<vmem>> -> memref<1x128xi32, #tpu.memory_space<vmem>>
    %dma_wait3A_186 = tpu.memref_squeeze %dma_wait3A_185 : memref<1x128xi32, #tpu.memory_space<vmem>> -> memref<128xi32, #tpu.memory_space<vmem>>
    %dma_wait3A_187 = arith.constant 0 : i32
    %dma_wait3A_188 = tpu.memref_slice %arg3[%dma_wait3A_187] : memref<884736xf32, #tpu.memory_space<hbm>> -> memref<884736xf32, #tpu.memory_space<hbm>>
    tpu.wait_indirect_dma semaphore(%arg7 : memref<!tpu.dma_semaphore, #tpu.memory_space<semaphore_mem>>) src(%dma_wait3A_188 : memref<884736xf32, #tpu.memory_space<hbm>>) dst(%dma_wait3A_183 : memref<128xf32, #tpu.memory_space<vmem>>)
    %dma_wait3A_189 = arith.constant 3 : i32
    %dma_wait3A_190 = arith.constant 3 : i32
    %dma_wait3A_191 = arith.constant 0 : i32
    %dma_wait3A_192 = tpu.memref_slice %arg6[%dma_wait3A_190, %dma_wait3A_191] : memref<16x128xf32, #tpu.memory_space<vmem>> -> memref<1x128xf32, #tpu.memory_space<vmem>>
    %dma_wait3A_193 = tpu.memref_squeeze %dma_wait3A_192 : memref<1x128xf32, #tpu.memory_space<vmem>> -> memref<128xf32, #tpu.memory_space<vmem>>
    %dma_wait3A_194 = arith.constant 0 : i32
    %dma_wait3A_195 = tpu.memref_slice %arg5[%dma_wait3A_189, %dma_wait3A_194] : memref<16x128xi32, #tpu.memory_space<vmem>> -> memref<1x128xi32, #tpu.memory_space<vmem>>
    %dma_wait3A_196 = tpu.memref_squeeze %dma_wait3A_195 : memref<1x128xi32, #tpu.memory_space<vmem>> -> memref<128xi32, #tpu.memory_space<vmem>>
    %dma_wait3A_197 = arith.constant 0 : i32
    %dma_wait3A_198 = tpu.memref_slice %arg3[%dma_wait3A_197] : memref<884736xf32, #tpu.memory_space<hbm>> -> memref<884736xf32, #tpu.memory_space<hbm>>
    tpu.wait_indirect_dma semaphore(%arg7 : memref<!tpu.dma_semaphore, #tpu.memory_space<semaphore_mem>>) src(%dma_wait3A_198 : memref<884736xf32, #tpu.memory_space<hbm>>) dst(%dma_wait3A_193 : memref<128xf32, #tpu.memory_space<vmem>>)
    %dma_wait3A_199 = arith.constant 4 : i32
    %dma_wait3A_200 = arith.constant 4 : i32
    %dma_wait3A_201 = arith.constant 0 : i32
    %dma_wait3A_202 = tpu.memref_slice %arg6[%dma_wait3A_200, %dma_wait3A_201] : memref<16x128xf32, #tpu.memory_space<vmem>> -> memref<1x128xf32, #tpu.memory_space<vmem>>
    %dma_wait3A_203 = tpu.memref_squeeze %dma_wait3A_202 : memref<1x128xf32, #tpu.memory_space<vmem>> -> memref<128xf32, #tpu.memory_space<vmem>>
    %dma_wait3A_204 = arith.constant 0 : i32
    %dma_wait3A_205 = tpu.memref_slice %arg5[%dma_wait3A_199, %dma_wait3A_204] : memref<16x128xi32, #tpu.memory_space<vmem>> -> memref<1x128xi32, #tpu.memory_space<vmem>>
    %dma_wait3A_206 = tpu.memref_squeeze %dma_wait3A_205 : memref<1x128xi32, #tpu.memory_space<vmem>> -> memref<128xi32, #tpu.memory_space<vmem>>
    %dma_wait3A_207 = arith.constant 0 : i32
    %dma_wait3A_208 = tpu.memref_slice %arg3[%dma_wait3A_207] : memref<884736xf32, #tpu.memory_space<hbm>> -> memref<884736xf32, #tpu.memory_space<hbm>>
    tpu.wait_indirect_dma semaphore(%arg7 : memref<!tpu.dma_semaphore, #tpu.memory_space<semaphore_mem>>) src(%dma_wait3A_208 : memref<884736xf32, #tpu.memory_space<hbm>>) dst(%dma_wait3A_203 : memref<128xf32, #tpu.memory_space<vmem>>)
    %dma_wait3A_209 = arith.constant 5 : i32
    %dma_wait3A_210 = arith.constant 5 : i32
    %dma_wait3A_211 = arith.constant 0 : i32
    %dma_wait3A_212 = tpu.memref_slice %arg6[%dma_wait3A_210, %dma_wait3A_211] : memref<16x128xf32, #tpu.memory_space<vmem>> -> memref<1x128xf32, #tpu.memory_space<vmem>>
    %dma_wait3A_213 = tpu.memref_squeeze %dma_wait3A_212 : memref<1x128xf32, #tpu.memory_space<vmem>> -> memref<128xf32, #tpu.memory_space<vmem>>
    %dma_wait3A_214 = arith.constant 0 : i32
    %dma_wait3A_215 = tpu.memref_slice %arg5[%dma_wait3A_209, %dma_wait3A_214] : memref<16x128xi32, #tpu.memory_space<vmem>> -> memref<1x128xi32, #tpu.memory_space<vmem>>
    %dma_wait3A_216 = tpu.memref_squeeze %dma_wait3A_215 : memref<1x128xi32, #tpu.memory_space<vmem>> -> memref<128xi32, #tpu.memory_space<vmem>>
    %dma_wait3A_217 = arith.constant 0 : i32
    %dma_wait3A_218 = tpu.memref_slice %arg3[%dma_wait3A_217] : memref<884736xf32, #tpu.memory_space<hbm>> -> memref<884736xf32, #tpu.memory_space<hbm>>
    tpu.wait_indirect_dma semaphore(%arg7 : memref<!tpu.dma_semaphore, #tpu.memory_space<semaphore_mem>>) src(%dma_wait3A_218 : memref<884736xf32, #tpu.memory_space<hbm>>) dst(%dma_wait3A_213 : memref<128xf32, #tpu.memory_space<vmem>>)
    %dma_wait3A_219 = arith.constant 6 : i32
    %dma_wait3A_220 = arith.constant 6 : i32
    %dma_wait3A_221 = arith.constant 0 : i32
    %dma_wait3A_222 = tpu.memref_slice %arg6[%dma_wait3A_220, %dma_wait3A_221] : memref<16x128xf32, #tpu.memory_space<vmem>> -> memref<1x128xf32, #tpu.memory_space<vmem>>
    %dma_wait3A_223 = tpu.memref_squeeze %dma_wait3A_222 : memref<1x128xf32, #tpu.memory_space<vmem>> -> memref<128xf32, #tpu.memory_space<vmem>>
    %dma_wait3A_224 = arith.constant 0 : i32
    %dma_wait3A_225 = tpu.memref_slice %arg5[%dma_wait3A_219, %dma_wait3A_224] : memref<16x128xi32, #tpu.memory_space<vmem>> -> memref<1x128xi32, #tpu.memory_space<vmem>>
    %dma_wait3A_226 = tpu.memref_squeeze %dma_wait3A_225 : memref<1x128xi32, #tpu.memory_space<vmem>> -> memref<128xi32, #tpu.memory_space<vmem>>
    %dma_wait3A_227 = arith.constant 0 : i32
    %dma_wait3A_228 = tpu.memref_slice %arg3[%dma_wait3A_227] : memref<884736xf32, #tpu.memory_space<hbm>> -> memref<884736xf32, #tpu.memory_space<hbm>>
    tpu.wait_indirect_dma semaphore(%arg7 : memref<!tpu.dma_semaphore, #tpu.memory_space<semaphore_mem>>) src(%dma_wait3A_228 : memref<884736xf32, #tpu.memory_space<hbm>>) dst(%dma_wait3A_223 : memref<128xf32, #tpu.memory_space<vmem>>)
    %dma_wait3A_229 = arith.constant 7 : i32
    %dma_wait3A_230 = arith.constant 7 : i32
    %dma_wait3A_231 = arith.constant 0 : i32
    %dma_wait3A_232 = tpu.memref_slice %arg6[%dma_wait3A_230, %dma_wait3A_231] : memref<16x128xf32, #tpu.memory_space<vmem>> -> memref<1x128xf32, #tpu.memory_space<vmem>>
    %dma_wait3A_233 = tpu.memref_squeeze %dma_wait3A_232 : memref<1x128xf32, #tpu.memory_space<vmem>> -> memref<128xf32, #tpu.memory_space<vmem>>
    %dma_wait3A_234 = arith.constant 0 : i32
    %dma_wait3A_235 = tpu.memref_slice %arg5[%dma_wait3A_229, %dma_wait3A_234] : memref<16x128xi32, #tpu.memory_space<vmem>> -> memref<1x128xi32, #tpu.memory_space<vmem>>
    %dma_wait3A_236 = tpu.memref_squeeze %dma_wait3A_235 : memref<1x128xi32, #tpu.memory_space<vmem>> -> memref<128xi32, #tpu.memory_space<vmem>>
    %dma_wait3A_237 = arith.constant 0 : i32
    %dma_wait3A_238 = tpu.memref_slice %arg3[%dma_wait3A_237] : memref<884736xf32, #tpu.memory_space<hbm>> -> memref<884736xf32, #tpu.memory_space<hbm>>
    tpu.wait_indirect_dma semaphore(%arg7 : memref<!tpu.dma_semaphore, #tpu.memory_space<semaphore_mem>>) src(%dma_wait3A_238 : memref<884736xf32, #tpu.memory_space<hbm>>) dst(%dma_wait3A_233 : memref<128xf32, #tpu.memory_space<vmem>>)
    %dma_wait3A_239 = arith.constant 8 : i32
    %dma_wait3A_240 = arith.constant 8 : i32
    %dma_wait3A_241 = arith.constant 0 : i32
    %dma_wait3A_242 = tpu.memref_slice %arg6[%dma_wait3A_240, %dma_wait3A_241] : memref<16x128xf32, #tpu.memory_space<vmem>> -> memref<1x128xf32, #tpu.memory_space<vmem>>
    %dma_wait3A_243 = tpu.memref_squeeze %dma_wait3A_242 : memref<1x128xf32, #tpu.memory_space<vmem>> -> memref<128xf32, #tpu.memory_space<vmem>>
    %dma_wait3A_244 = arith.constant 0 : i32
    %dma_wait3A_245 = tpu.memref_slice %arg5[%dma_wait3A_239, %dma_wait3A_244] : memref<16x128xi32, #tpu.memory_space<vmem>> -> memref<1x128xi32, #tpu.memory_space<vmem>>
    %dma_wait3A_246 = tpu.memref_squeeze %dma_wait3A_245 : memref<1x128xi32, #tpu.memory_space<vmem>> -> memref<128xi32, #tpu.memory_space<vmem>>
    %dma_wait3A_247 = arith.constant 0 : i32
    %dma_wait3A_248 = tpu.memref_slice %arg3[%dma_wait3A_247] : memref<884736xf32, #tpu.memory_space<hbm>> -> memref<884736xf32, #tpu.memory_space<hbm>>
    tpu.wait_indirect_dma semaphore(%arg7 : memref<!tpu.dma_semaphore, #tpu.memory_space<semaphore_mem>>) src(%dma_wait3A_248 : memref<884736xf32, #tpu.memory_space<hbm>>) dst(%dma_wait3A_243 : memref<128xf32, #tpu.memory_space<vmem>>)
    %dma_wait3A_249 = arith.constant 9 : i32
    %dma_wait3A_250 = arith.constant 9 : i32
    %dma_wait3A_251 = arith.constant 0 : i32
    %dma_wait3A_252 = tpu.memref_slice %arg6[%dma_wait3A_250, %dma_wait3A_251] : memref<16x128xf32, #tpu.memory_space<vmem>> -> memref<1x128xf32, #tpu.memory_space<vmem>>
    %dma_wait3A_253 = tpu.memref_squeeze %dma_wait3A_252 : memref<1x128xf32, #tpu.memory_space<vmem>> -> memref<128xf32, #tpu.memory_space<vmem>>
    %dma_wait3A_254 = arith.constant 0 : i32
    %dma_wait3A_255 = tpu.memref_slice %arg5[%dma_wait3A_249, %dma_wait3A_254] : memref<16x128xi32, #tpu.memory_space<vmem>> -> memref<1x128xi32, #tpu.memory_space<vmem>>
    %dma_wait3A_256 = tpu.memref_squeeze %dma_wait3A_255 : memref<1x128xi32, #tpu.memory_space<vmem>> -> memref<128xi32, #tpu.memory_space<vmem>>
    %dma_wait3A_257 = arith.constant 0 : i32
    %dma_wait3A_258 = tpu.memref_slice %arg3[%dma_wait3A_257] : memref<884736xf32, #tpu.memory_space<hbm>> -> memref<884736xf32, #tpu.memory_space<hbm>>
    tpu.wait_indirect_dma semaphore(%arg7 : memref<!tpu.dma_semaphore, #tpu.memory_space<semaphore_mem>>) src(%dma_wait3A_258 : memref<884736xf32, #tpu.memory_space<hbm>>) dst(%dma_wait3A_253 : memref<128xf32, #tpu.memory_space<vmem>>)
    %dma_wait3A_259 = arith.constant 10 : i32
    %dma_wait3A_260 = arith.constant 10 : i32
    %dma_wait3A_261 = arith.constant 0 : i32
    %dma_wait3A_262 = tpu.memref_slice %arg6[%dma_wait3A_260, %dma_wait3A_261] : memref<16x128xf32, #tpu.memory_space<vmem>> -> memref<1x128xf32, #tpu.memory_space<vmem>>
    %dma_wait3A_263 = tpu.memref_squeeze %dma_wait3A_262 : memref<1x128xf32, #tpu.memory_space<vmem>> -> memref<128xf32, #tpu.memory_space<vmem>>
    %dma_wait3A_264 = arith.constant 0 : i32
    %dma_wait3A_265 = tpu.memref_slice %arg5[%dma_wait3A_259, %dma_wait3A_264] : memref<16x128xi32, #tpu.memory_space<vmem>> -> memref<1x128xi32, #tpu.memory_space<vmem>>
    %dma_wait3A_266 = tpu.memref_squeeze %dma_wait3A_265 : memref<1x128xi32, #tpu.memory_space<vmem>> -> memref<128xi32, #tpu.memory_space<vmem>>
    %dma_wait3A_267 = arith.constant 0 : i32
    %dma_wait3A_268 = tpu.memref_slice %arg3[%dma_wait3A_267] : memref<884736xf32, #tpu.memory_space<hbm>> -> memref<884736xf32, #tpu.memory_space<hbm>>
    tpu.wait_indirect_dma semaphore(%arg7 : memref<!tpu.dma_semaphore, #tpu.memory_space<semaphore_mem>>) src(%dma_wait3A_268 : memref<884736xf32, #tpu.memory_space<hbm>>) dst(%dma_wait3A_263 : memref<128xf32, #tpu.memory_space<vmem>>)
    %dma_wait3A_269 = arith.constant 11 : i32
    %dma_wait3A_270 = arith.constant 11 : i32
    %dma_wait3A_271 = arith.constant 0 : i32
    %dma_wait3A_272 = tpu.memref_slice %arg6[%dma_wait3A_270, %dma_wait3A_271] : memref<16x128xf32, #tpu.memory_space<vmem>> -> memref<1x128xf32, #tpu.memory_space<vmem>>
    %dma_wait3A_273 = tpu.memref_squeeze %dma_wait3A_272 : memref<1x128xf32, #tpu.memory_space<vmem>> -> memref<128xf32, #tpu.memory_space<vmem>>
    %dma_wait3A_274 = arith.constant 0 : i32
    %dma_wait3A_275 = tpu.memref_slice %arg5[%dma_wait3A_269, %dma_wait3A_274] : memref<16x128xi32, #tpu.memory_space<vmem>> -> memref<1x128xi32, #tpu.memory_space<vmem>>
    %dma_wait3A_276 = tpu.memref_squeeze %dma_wait3A_275 : memref<1x128xi32, #tpu.memory_space<vmem>> -> memref<128xi32, #tpu.memory_space<vmem>>
    %dma_wait3A_277 = arith.constant 0 : i32
    %dma_wait3A_278 = tpu.memref_slice %arg3[%dma_wait3A_277] : memref<884736xf32, #tpu.memory_space<hbm>> -> memref<884736xf32, #tpu.memory_space<hbm>>
    tpu.wait_indirect_dma semaphore(%arg7 : memref<!tpu.dma_semaphore, #tpu.memory_space<semaphore_mem>>) src(%dma_wait3A_278 : memref<884736xf32, #tpu.memory_space<hbm>>) dst(%dma_wait3A_273 : memref<128xf32, #tpu.memory_space<vmem>>)
    %dma_wait3A_279 = arith.constant 12 : i32
    %dma_wait3A_280 = arith.constant 12 : i32
    %dma_wait3A_281 = arith.constant 0 : i32
    %dma_wait3A_282 = tpu.memref_slice %arg6[%dma_wait3A_280, %dma_wait3A_281] : memref<16x128xf32, #tpu.memory_space<vmem>> -> memref<1x128xf32, #tpu.memory_space<vmem>>
    %dma_wait3A_283 = tpu.memref_squeeze %dma_wait3A_282 : memref<1x128xf32, #tpu.memory_space<vmem>> -> memref<128xf32, #tpu.memory_space<vmem>>
    %dma_wait3A_284 = arith.constant 0 : i32
    %dma_wait3A_285 = tpu.memref_slice %arg5[%dma_wait3A_279, %dma_wait3A_284] : memref<16x128xi32, #tpu.memory_space<vmem>> -> memref<1x128xi32, #tpu.memory_space<vmem>>
    %dma_wait3A_286 = tpu.memref_squeeze %dma_wait3A_285 : memref<1x128xi32, #tpu.memory_space<vmem>> -> memref<128xi32, #tpu.memory_space<vmem>>
    %dma_wait3A_287 = arith.constant 0 : i32
    %dma_wait3A_288 = tpu.memref_slice %arg3[%dma_wait3A_287] : memref<884736xf32, #tpu.memory_space<hbm>> -> memref<884736xf32, #tpu.memory_space<hbm>>
    tpu.wait_indirect_dma semaphore(%arg7 : memref<!tpu.dma_semaphore, #tpu.memory_space<semaphore_mem>>) src(%dma_wait3A_288 : memref<884736xf32, #tpu.memory_space<hbm>>) dst(%dma_wait3A_283 : memref<128xf32, #tpu.memory_space<vmem>>)
    %dma_wait3A_289 = arith.constant 13 : i32
    %dma_wait3A_290 = arith.constant 13 : i32
    %dma_wait3A_291 = arith.constant 0 : i32
    %dma_wait3A_292 = tpu.memref_slice %arg6[%dma_wait3A_290, %dma_wait3A_291] : memref<16x128xf32, #tpu.memory_space<vmem>> -> memref<1x128xf32, #tpu.memory_space<vmem>>
    %dma_wait3A_293 = tpu.memref_squeeze %dma_wait3A_292 : memref<1x128xf32, #tpu.memory_space<vmem>> -> memref<128xf32, #tpu.memory_space<vmem>>
    %dma_wait3A_294 = arith.constant 0 : i32
    %dma_wait3A_295 = tpu.memref_slice %arg5[%dma_wait3A_289, %dma_wait3A_294] : memref<16x128xi32, #tpu.memory_space<vmem>> -> memref<1x128xi32, #tpu.memory_space<vmem>>
    %dma_wait3A_296 = tpu.memref_squeeze %dma_wait3A_295 : memref<1x128xi32, #tpu.memory_space<vmem>> -> memref<128xi32, #tpu.memory_space<vmem>>
    %dma_wait3A_297 = arith.constant 0 : i32
    %dma_wait3A_298 = tpu.memref_slice %arg3[%dma_wait3A_297] : memref<884736xf32, #tpu.memory_space<hbm>> -> memref<884736xf32, #tpu.memory_space<hbm>>
    tpu.wait_indirect_dma semaphore(%arg7 : memref<!tpu.dma_semaphore, #tpu.memory_space<semaphore_mem>>) src(%dma_wait3A_298 : memref<884736xf32, #tpu.memory_space<hbm>>) dst(%dma_wait3A_293 : memref<128xf32, #tpu.memory_space<vmem>>)
    %dma_wait3A_299 = arith.constant 14 : i32
    %dma_wait3A_300 = arith.constant 14 : i32
    %dma_wait3A_301 = arith.constant 0 : i32
    %dma_wait3A_302 = tpu.memref_slice %arg6[%dma_wait3A_300, %dma_wait3A_301] : memref<16x128xf32, #tpu.memory_space<vmem>> -> memref<1x128xf32, #tpu.memory_space<vmem>>
    %dma_wait3A_303 = tpu.memref_squeeze %dma_wait3A_302 : memref<1x128xf32, #tpu.memory_space<vmem>> -> memref<128xf32, #tpu.memory_space<vmem>>
    %dma_wait3A_304 = arith.constant 0 : i32
    %dma_wait3A_305 = tpu.memref_slice %arg5[%dma_wait3A_299, %dma_wait3A_304] : memref<16x128xi32, #tpu.memory_space<vmem>> -> memref<1x128xi32, #tpu.memory_space<vmem>>
    %dma_wait3A_306 = tpu.memref_squeeze %dma_wait3A_305 : memref<1x128xi32, #tpu.memory_space<vmem>> -> memref<128xi32, #tpu.memory_space<vmem>>
    %dma_wait3A_307 = arith.constant 0 : i32
    %dma_wait3A_308 = tpu.memref_slice %arg3[%dma_wait3A_307] : memref<884736xf32, #tpu.memory_space<hbm>> -> memref<884736xf32, #tpu.memory_space<hbm>>
    tpu.wait_indirect_dma semaphore(%arg7 : memref<!tpu.dma_semaphore, #tpu.memory_space<semaphore_mem>>) src(%dma_wait3A_308 : memref<884736xf32, #tpu.memory_space<hbm>>) dst(%dma_wait3A_303 : memref<128xf32, #tpu.memory_space<vmem>>)
    %dma_wait3A_309 = arith.constant 15 : i32
    %dma_wait3A_310 = arith.constant 15 : i32
    %dma_wait3A_311 = arith.constant 0 : i32
    %dma_wait3A_312 = tpu.memref_slice %arg6[%dma_wait3A_310, %dma_wait3A_311] : memref<16x128xf32, #tpu.memory_space<vmem>> -> memref<1x128xf32, #tpu.memory_space<vmem>>
    %dma_wait3A_313 = tpu.memref_squeeze %dma_wait3A_312 : memref<1x128xf32, #tpu.memory_space<vmem>> -> memref<128xf32, #tpu.memory_space<vmem>>
    %dma_wait3A_314 = arith.constant 0 : i32
    %dma_wait3A_315 = tpu.memref_slice %arg5[%dma_wait3A_309, %dma_wait3A_314] : memref<16x128xi32, #tpu.memory_space<vmem>> -> memref<1x128xi32, #tpu.memory_space<vmem>>
    %dma_wait3A_316 = tpu.memref_squeeze %dma_wait3A_315 : memref<1x128xi32, #tpu.memory_space<vmem>> -> memref<128xi32, #tpu.memory_space<vmem>>
    %dma_wait3A_317 = arith.constant 0 : i32
    %dma_wait3A_318 = tpu.memref_slice %arg3[%dma_wait3A_317] : memref<884736xf32, #tpu.memory_space<hbm>> -> memref<884736xf32, #tpu.memory_space<hbm>>
    tpu.wait_indirect_dma semaphore(%arg7 : memref<!tpu.dma_semaphore, #tpu.memory_space<semaphore_mem>>) src(%dma_wait3A_318 : memref<884736xf32, #tpu.memory_space<hbm>>) dst(%dma_wait3A_313 : memref<128xf32, #tpu.memory_space<vmem>>)
    "tpu.region"() ({
      %run_scoped3A = tpu.sem_alloc : memref<!tpu.dma_semaphore, #tpu.memory_space<semaphore_mem>>
      %dma_start3A_319 = arith.constant 0 : i32
      %dma_start3A_320 = arith.constant 0 : i32
      %dma_start3A_321 = tpu.memref_slice %arg4[%add3A, %dma_start3A_319, %dma_start3A_320] : memref<32x16x128xf32, #tpu.memory_space<hbm>> -> memref<1x16x128xf32, #tpu.memory_space<hbm>>
      %dma_start3A_322 = tpu.memref_squeeze %dma_start3A_321 : memref<1x16x128xf32, #tpu.memory_space<hbm>> -> memref<16x128xf32, #tpu.memory_space<hbm>>
      %dma_start3A_323 = arith.constant 0 : i32
      %dma_start3A_324 = arith.constant 0 : i32
      %dma_start3A_325 = tpu.memref_slice %arg4[%add3A, %dma_start3A_323, %dma_start3A_324] : memref<32x16x128xf32, #tpu.memory_space<hbm>> -> memref<1x16x128xf32, #tpu.memory_space<hbm>>
      %dma_start3A_326 = tpu.memref_squeeze %dma_start3A_325 : memref<1x16x128xf32, #tpu.memory_space<hbm>> -> memref<16x128xf32, #tpu.memory_space<hbm>>
      tpu.enqueue_dma source(%arg6 : memref<16x128xf32, #tpu.memory_space<vmem>>) target(%dma_start3A_326 : memref<16x128xf32, #tpu.memory_space<hbm>>) target_semaphore(%run_scoped3A : memref<!tpu.dma_semaphore, #tpu.memory_space<semaphore_mem>>)
      %dma_wait3A_327 = arith.constant 0 : i32
      %dma_wait3A_328 = arith.constant 0 : i32
      %dma_wait3A_329 = tpu.memref_slice %arg4[%add3A, %dma_wait3A_327, %dma_wait3A_328] : memref<32x16x128xf32, #tpu.memory_space<hbm>> -> memref<1x16x128xf32, #tpu.memory_space<hbm>>
      %dma_wait3A_330 = tpu.memref_squeeze %dma_wait3A_329 : memref<1x16x128xf32, #tpu.memory_space<hbm>> -> memref<16x128xf32, #tpu.memory_space<hbm>>
      %dma_wait3A_331 = arith.constant 0 : i32
      %dma_wait3A_332 = arith.constant 0 : i32
      %dma_wait3A_333 = tpu.memref_slice %arg4[%add3A, %dma_wait3A_331, %dma_wait3A_332] : memref<32x16x128xf32, #tpu.memory_space<hbm>> -> memref<1x16x128xf32, #tpu.memory_space<hbm>>
      %dma_wait3A_334 = tpu.memref_squeeze %dma_wait3A_333 : memref<1x16x128xf32, #tpu.memory_space<hbm>> -> memref<16x128xf32, #tpu.memory_space<hbm>>
      tpu.wait_dma2 semaphore(%run_scoped3A : memref<!tpu.dma_semaphore, #tpu.memory_space<semaphore_mem>>) src(%arg6 : memref<16x128xf32, #tpu.memory_space<vmem>>) dst(%dma_wait3A_334 : memref<16x128xf32, #tpu.memory_space<hbm>>)
      tpu.yield
    }) : () -> ()
    return
  }
}

module attributes {stable_mosaic.version = 14 : i64} {
  func.func @_traj_body(%arg0: memref<1024x128xf32, #tpu.memory_space<vmem>>, %arg1: memref<3x64xf32, #tpu.memory_space<vmem>>, %arg2: memref<1x64xf32, #tpu.memory_space<vmem>>, %arg3: memref<64x768xf32, #tpu.memory_space<vmem>>, %arg4: memref<1x768xf32, #tpu.memory_space<vmem>>, %arg5: memref<768x128xf32, #tpu.memory_space<vmem>>, %arg6: memref<64x3x1024xf32, #tpu.memory_space<vmem>>, %arg7: memref<64x1x1024xf32, #tpu.memory_space<vmem>>, %arg8: memref<64x1x1024xi32, #tpu.memory_space<vmem>>) attributes {dimension_semantics = [], scalar_prefetch = 0 : i64, scratch_operands = 0 : i64, tpu.core_type = #tpu.core_type<tc>} {
    %get3A = arith.constant 0 : index
    %get3A_0 = arith.constant 0 : index
    %get3A_1 = vector.load %arg0[%get3A, %get3A_0] : memref<1024x128xf32, #tpu.memory_space<vmem>>, vector<1024x128xf32>
    %slice3A = vector.extract_strided_slice %get3A_1 {offsets = [0, 0], sizes = [1024, 3], strides = [1, 1]} : vector<1024x128xf32> to vector<1024x3xf32>
    %transpose3A = tpu.transpose %slice3A, [1, 0] : vector<1024x3xf32> -> vector<3x1024xf32>
    %swap3A = arith.constant 0 : index
    %swap3A_2 = arith.constant 0 : index
    %swap3A_3 = arith.constant 0 : index
    %swap3A_4 = vector.load %arg6[%swap3A, %swap3A_2, %swap3A_3] : memref<64x3x1024xf32, #tpu.memory_space<vmem>>, vector<1x3x1024xf32>
    %swap3A_5 = vector.shape_cast %swap3A_4 : vector<1x3x1024xf32> to vector<3x1024xf32>
    %swap3A_6 = vector.shape_cast %transpose3A : vector<3x1024xf32> to vector<1x3x1024xf32>
    tpu.vector_store %arg6[%swap3A, %swap3A_2, %swap3A_3], %swap3A_6 {strides = array<i32>} : memref<64x3x1024xf32, #tpu.memory_space<vmem>>, vector<1x3x1024xf32>,
    %broadcast_in_dim3A = arith.constant 0 : i32
    %broadcast_in_dim3A_7 = vector.broadcast %broadcast_in_dim3A : i32 to vector<1x1024xi32>
    %swap3A_8 = arith.constant 63 : index
    %swap3A_9 = arith.constant 0 : index
    %swap3A_10 = arith.constant 0 : index
    %swap3A_11 = vector.load %arg8[%swap3A_8, %swap3A_9, %swap3A_10] : memref<64x1x1024xi32, #tpu.memory_space<vmem>>, vector<1x1x1024xi32>
    %swap3A_12 = vector.shape_cast %swap3A_11 : vector<1x1x1024xi32> to vector<1x1024xi32>
    %swap3A_13 = vector.shape_cast %broadcast_in_dim3A_7 : vector<1x1024xi32> to vector<1x1x1024xi32>
    tpu.vector_store %arg8[%swap3A_8, %swap3A_9, %swap3A_10], %swap3A_13 {strides = array<i32>} : memref<64x1x1024xi32, #tpu.memory_space<vmem>>, vector<1x1x1024xi32>,
    %broadcast_in_dim3A_14 = arith.constant 0.000000e+00 : f32
    %broadcast_in_dim3A_15 = vector.broadcast %broadcast_in_dim3A_14 : f32 to vector<1x1024xf32>
    %swap3A_16 = arith.constant 63 : index
    %swap3A_17 = arith.constant 0 : index
    %swap3A_18 = arith.constant 0 : index
    %swap3A_19 = vector.load %arg7[%swap3A_16, %swap3A_17, %swap3A_18] : memref<64x1x1024xf32, #tpu.memory_space<vmem>>, vector<1x1x1024xf32>
    %swap3A_20 = vector.shape_cast %swap3A_19 : vector<1x1x1024xf32> to vector<1x1024xf32>
    %swap3A_21 = vector.shape_cast %broadcast_in_dim3A_15 : vector<1x1024xf32> to vector<1x1x1024xf32>
    tpu.vector_store %arg7[%swap3A_16, %swap3A_17, %swap3A_18], %swap3A_21 {strides = array<i32>} : memref<64x1x1024xf32, #tpu.memory_space<vmem>>, vector<1x1x1024xf32>,
    %iota3A = tpu.iota {dimensions = array<i32: 1>} : vector<1024x768xi32>
    %slice3A_22 = vector.extract_strided_slice %iota3A {offsets = [0, 0], sizes = [1, 128], strides = [1, 1]} : vector<1024x768xi32> to vector<1x128xi32>
    %eq3A = arith.constant 0 : i32
    %eq3A_23 = vector.broadcast %eq3A : i32 to vector<1x128xi32>
    %eq3A_24 = arith.cmpi eq, %slice3A_22, %eq3A_23 : vector<1x128xi32>
    %slice3A_25 = vector.extract_strided_slice %iota3A {offsets = [0, 0], sizes = [1, 128], strides = [1, 1]} : vector<1024x768xi32> to vector<1x128xi32>
    %eq3A_26 = arith.constant 1 : i32
    %eq3A_27 = vector.broadcast %eq3A_26 : i32 to vector<1x128xi32>
    %eq3A_28 = arith.cmpi eq, %slice3A_25, %eq3A_27 : vector<1x128xi32>
    %slice3A_29 = vector.extract_strided_slice %iota3A {offsets = [0, 0], sizes = [1, 128], strides = [1, 1]} : vector<1024x768xi32> to vector<1x128xi32>
    %eq3A_30 = arith.constant 2 : i32
    %eq3A_31 = vector.broadcast %eq3A_30 : i32 to vector<1x128xi32>
    %eq3A_32 = arith.cmpi eq, %slice3A_29, %eq3A_31 : vector<1x128xi32>
    %jit3A = arith.constant 1.000000e+00 : f32
    %jit3A_33 = arith.constant 0.000000e+00 : f32
    %broadcast_in_dim3A_34 = vector.broadcast %jit3A : f32 to vector<1x128xf32>
    %broadcast_in_dim3A_35 = vector.broadcast %jit3A_33 : f32 to vector<1x128xf32>
    %select_n3A = arith.select %eq3A_32, %broadcast_in_dim3A_34, %broadcast_in_dim3A_35 : vector<1x128xi1>, vector<1x128xf32>
    %jit3A_36 = arith.constant 9.600000e+01 : f32
    %broadcast_in_dim3A_37 = vector.broadcast %jit3A_36 : f32 to vector<1x128xf32>
    %select_n3A_38 = arith.select %eq3A_28, %broadcast_in_dim3A_37, %select_n3A : vector<1x128xi1>, vector<1x128xf32>
    %jit3A_39 = arith.constant 9.216000e+03 : f32
    %broadcast_in_dim3A_40 = vector.broadcast %jit3A_39 : f32 to vector<1x128xf32>
    %select_n3A_41 = arith.select %eq3A_24, %broadcast_in_dim3A_40, %select_n3A_38 : vector<1x128xi1>, vector<1x128xf32>
    %broadcast_in_dim3A_42 = arith.constant 0.000000e+00 : f32
    %broadcast_in_dim3A_43 = vector.broadcast %broadcast_in_dim3A_42 : f32 to vector<1024x128xf32>
    %scan3A = arith.constant 0 : i32
    %scan3A_44 = arith.constant 63 : i32
    %scan3A_45 = arith.addi %scan3A, %scan3A_44 : i32
    %scan3A_46 = arith.constant 1 : i32
    %scan3A_47:2 = scf.for %scan3A_49 = %scan3A to %scan3A_45 step %scan3A_46 iter_args(%scan3A_50 = %get3A_1, %scan3A_51 = %broadcast_in_dim3A_43) -> (vector<1024x128xf32>, vector<1024x128xf32>)  : i32 {
      %slice3A_52 = vector.extract_strided_slice %scan3A_50 {offsets = [0, 0], sizes = [1024, 3], strides = [1, 1]} : vector<1024x128xf32> to vector<1024x3xf32>
      %get3A_53 = arith.constant 0 : index
      %get3A_54 = arith.constant 0 : index
      %get3A_55 = vector.load %arg1[%get3A_53, %get3A_54] : memref<3x64xf32, #tpu.memory_space<vmem>>, vector<3x64xf32>
      %dot_general3A = arith.constant dense<0.000000e+00> : vector<1024x64xf32>
      %dot_general3A_56 = tpu.matmul %slice3A_52, %get3A_55, %dot_general3A {dimension_numbers = #tpu.dot_dimension_numbers<[1], [0], [0], [1], [0, 0, 1, 1], [], []>, transpose_lhs_hint = false} : vector<1024x3xf32>, vector<3x64xf32>, vector<1024x64xf32> -> vector<1024x64xf32>
      %get3A_57 = arith.constant 0 : index
      %get3A_58 = arith.constant 0 : index
      %get3A_59 = vector.load %arg2[%get3A_57, %get3A_58] : memref<1x64xf32, #tpu.memory_space<vmem>>, vector<1x64xf32>
      %add3A = vector.broadcast %get3A_59 : vector<1x64xf32> to vector<1024x64xf32>
      %add3A_60 = arith.addf %dot_general3A_56, %add3A : vector<1024x64xf32>
      %max3A = arith.constant 0.000000e+00 : f32
      %max3A_61 = vector.broadcast %max3A : f32 to vector<1024x64xf32>
      %max3A_62 = arith.maximumf %add3A_60, %max3A_61 : vector<1024x64xf32>
      %get3A_63 = arith.constant 0 : index
      %get3A_64 = arith.constant 0 : index
      %get3A_65 = vector.load %arg3[%get3A_63, %get3A_64] : memref<64x768xf32, #tpu.memory_space<vmem>>, vector<64x768xf32>
      %dot_general3A_66 = arith.constant dense<0.000000e+00> : vector<1024x768xf32>
      %dot_general3A_67 = tpu.matmul %max3A_62, %get3A_65, %dot_general3A_66 {dimension_numbers = #tpu.dot_dimension_numbers<[1], [0], [0], [1], [0, 0, 1, 1], [], []>, transpose_lhs_hint = false} : vector<1024x64xf32>, vector<64x768xf32>, vector<1024x768xf32> -> vector<1024x768xf32>
      %get3A_68 = arith.constant 0 : index
      %get3A_69 = arith.constant 0 : index
      %get3A_70 = vector.load %arg4[%get3A_68, %get3A_69] : memref<1x768xf32, #tpu.memory_space<vmem>>, vector<1x768xf32>
      %add3A_71 = vector.broadcast %get3A_70 : vector<1x768xf32> to vector<1024x768xf32>
      %add3A_72 = arith.addf %dot_general3A_67, %add3A_71 : vector<1024x768xf32>
      %argmax3A = tpu.reduce_index %add3A_72 {axis = 1 : i32, kind = #tpu.reduction_kind<arg_max>} : vector<1024x768xf32> -> vector<1024xi32>
      %broadcast_in_dim3A_73 = vector.shape_cast %argmax3A : vector<1024xi32> to vector<1024x1xi32>
      %eq3A_74 = vector.broadcast %broadcast_in_dim3A_73 : vector<1024x1xi32> to vector<1024x768xi32>
      %eq3A_75 = arith.cmpi eq, %iota3A, %eq3A_74 : vector<1024x768xi32>
      %convert_element_type3A = arith.extui %eq3A_75 : vector<1024x768xi1> to vector<1024x768xi32>
      %convert_element_type3A_76 = arith.sitofp %convert_element_type3A : vector<1024x768xi32> to vector<1024x768xf32>
      %get3A_77 = arith.constant 0 : index
      %get3A_78 = arith.constant 0 : index
      %get3A_79 = vector.load %arg5[%get3A_77, %get3A_78] : memref<768x128xf32, #tpu.memory_space<vmem>>, vector<768x128xf32>
      %dot_general3A_80 = arith.constant dense<0.000000e+00> : vector<1024x128xf32>
      %dot_general3A_81 = tpu.matmul %convert_element_type3A_76, %get3A_79, %dot_general3A_80 {dimension_numbers = #tpu.dot_dimension_numbers<[1], [0], [0], [1], [0, 0, 1, 1], [], []>, transpose_lhs_hint = false} : vector<1024x768xf32>, vector<768x128xf32>, vector<1024x128xf32> -> vector<1024x128xf32>
      %mul3A = arith.mulf %dot_general3A_81, %scan3A_51 : vector<1024x128xf32>
      %reduce_sum3A = arith.constant dense<0.000000e+00> : vector<1024xf32>
      %reduce_sum3A_82 = vector.multi_reduction <add>, %mul3A, %reduce_sum3A [1] : vector<1024x128xf32> to vector<1024xf32>
      %broadcast_in_dim3A_83 = vector.shape_cast %reduce_sum3A_82 : vector<1024xf32> to vector<1024x1xf32>
      %transpose3A_84 = tpu.transpose %broadcast_in_dim3A_83, [1, 0] : vector<1024x1xf32> -> vector<1x1024xf32>
      %swap3A_85 = arith.index_cast %scan3A_49 : i32 to index
      %swap3A_86 = arith.constant 0 : index
      %swap3A_87 = arith.constant 0 : index
      %swap3A_88 = vector.load %arg7[%swap3A_85, %swap3A_86, %swap3A_87] : memref<64x1x1024xf32, #tpu.memory_space<vmem>>, vector<1x1x1024xf32>
      %swap3A_89 = vector.shape_cast %swap3A_88 : vector<1x1x1024xf32> to vector<1x1024xf32>
      %swap3A_90 = vector.shape_cast %transpose3A_84 : vector<1x1024xf32> to vector<1x1x1024xf32>
      tpu.vector_store %arg7[%swap3A_85, %swap3A_86, %swap3A_87], %swap3A_90 {strides = array<i32>} : memref<64x1x1024xf32, #tpu.memory_space<vmem>>, vector<1x1x1024xf32>,
      %round3A = math.roundeven %scan3A_50 : vector<1024x128xf32>
      %jit3A_91 = arith.constant 0.000000e+00 : f32
      %jit3A_92 = arith.constant 9.500000e+01 : f32
      %max3A_93 = vector.broadcast %jit3A_91 : f32 to vector<1024x128xf32>
      %max3A_94 = arith.maximumf %max3A_93, %round3A : vector<1024x128xf32>
      %min3A = vector.broadcast %jit3A_92 : f32 to vector<1024x128xf32>
      %min3A_95 = arith.minimumf %min3A, %max3A_94 : vector<1024x128xf32>
      %mul3A_96 = vector.broadcast %select_n3A_41 : vector<1x128xf32> to vector<1024x128xf32>
      %mul3A_97 = arith.mulf %min3A_95, %mul3A_96 : vector<1024x128xf32>
      %reduce_sum3A_98 = arith.constant dense<0.000000e+00> : vector<1024xf32>
      %reduce_sum3A_99 = vector.multi_reduction <add>, %mul3A_97, %reduce_sum3A_98 [1] : vector<1024x128xf32> to vector<1024xf32>
      %broadcast_in_dim3A_100 = vector.shape_cast %reduce_sum3A_99 : vector<1024xf32> to vector<1024x1xf32>
      %transpose3A_101 = tpu.transpose %broadcast_in_dim3A_100, [1, 0] : vector<1024x1xf32> -> vector<1x1024xf32>
      %convert_element_type3A_102 = arith.fptosi %transpose3A_101 : vector<1x1024xf32> to vector<1x1024xi32>
      %swap3A_103 = arith.index_cast %scan3A_49 : i32 to index
      %swap3A_104 = arith.constant 0 : index
      %swap3A_105 = arith.constant 0 : index
      %swap3A_106 = vector.load %arg8[%swap3A_103, %swap3A_104, %swap3A_105] : memref<64x1x1024xi32, #tpu.memory_space<vmem>>, vector<1x1x1024xi32>
      %swap3A_107 = vector.shape_cast %swap3A_106 : vector<1x1x1024xi32> to vector<1x1024xi32>
      %swap3A_108 = vector.shape_cast %convert_element_type3A_102 : vector<1x1024xi32> to vector<1x1x1024xi32>
      tpu.vector_store %arg8[%swap3A_103, %swap3A_104, %swap3A_105], %swap3A_108 {strides = array<i32>} : memref<64x1x1024xi32, #tpu.memory_space<vmem>>, vector<1x1x1024xi32>,
      %mul3A_109 = arith.constant 5.000000e-01 : f32
      %mul3A_110 = vector.broadcast %mul3A_109 : f32 to vector<1024x128xf32>
      %mul3A_111 = arith.mulf %mul3A_110, %dot_general3A_81 : vector<1024x128xf32>
      %add3A_112 = arith.addf %scan3A_50, %mul3A_111 : vector<1024x128xf32>
      %slice3A_113 = vector.extract_strided_slice %add3A_112 {offsets = [0, 0], sizes = [1024, 3], strides = [1, 1]} : vector<1024x128xf32> to vector<1024x3xf32>
      %transpose3A_114 = tpu.transpose %slice3A_113, [1, 0] : vector<1024x3xf32> -> vector<3x1024xf32>
      %add3A_115 = arith.constant 1 : i32
      %add3A_116 = arith.addi %scan3A_49, %add3A_115 : i32
      %swap3A_117 = arith.index_cast %add3A_116 : i32 to index
      %swap3A_118 = arith.constant 0 : index
      %swap3A_119 = arith.constant 0 : index
      %swap3A_120 = vector.load %arg6[%swap3A_117, %swap3A_118, %swap3A_119] : memref<64x3x1024xf32, #tpu.memory_space<vmem>>, vector<1x3x1024xf32>
      %swap3A_121 = vector.shape_cast %swap3A_120 : vector<1x3x1024xf32> to vector<3x1024xf32>
      %swap3A_122 = vector.shape_cast %transpose3A_114 : vector<3x1024xf32> to vector<1x3x1024xf32>
      tpu.vector_store %arg6[%swap3A_117, %swap3A_118, %swap3A_119], %swap3A_122 {strides = array<i32>} : memref<64x3x1024xf32, #tpu.memory_space<vmem>>, vector<1x3x1024xf32>,
      scf.yield %add3A_112, %dot_general3A_81 : vector<1024x128xf32>, vector<1024x128xf32>
    }
    %scan3A_48 = arith.constant 63 : i32
    return
  }
}

module attributes {stable_mosaic.version = 14 : i64} {
  func.func @_finish_body(%arg0: memref<1x1xf32, #tpu.memory_space<smem>>, %arg1: memref<64x3x1024xf32, #tpu.memory_space<vmem>>, %arg2: memref<64x1024xf32, #tpu.memory_space<vmem>>, %arg3: memref<64x1024xf32, #tpu.memory_space<vmem>>, %arg4: memref<64x3x1024xf32, #tpu.memory_space<vmem>>, %arg5: memref<1x1024xi32, #tpu.memory_space<vmem>>) attributes {dimension_semantics = [], scalar_prefetch = 0 : i64, scratch_operands = 0 : i64, tpu.core_type = #tpu.core_type<tc>} {
    %iota3A = tpu.iota {dimensions = array<i32: 0>} : vector<64x1024xi32>
    %get3A = arith.constant 0 : index
    %get3A_0 = arith.constant 0 : index
    %get3A_1 = vector.load %arg3[%get3A, %get3A_0] : memref<64x1024xf32, #tpu.memory_space<vmem>>, vector<64x1024xf32>
    %lt3A = arith.constant 1.500000e-01 : f32
    %lt3A_2 = vector.broadcast %lt3A : f32 to vector<64x1024xf32>
    %lt3A_3 = arith.cmpf olt, %get3A_1, %lt3A_2 : vector<64x1024xf32>
    %get3A_4 = arith.constant 0 : index
    %get3A_5 = arith.constant 0 : index
    %get3A_6 = vector.load %arg2[%get3A_4, %get3A_5] : memref<64x1024xf32, #tpu.memory_space<vmem>>, vector<64x1024xf32>
    %get3A_7 = arith.constant 0 : index
    %get3A_8 = arith.constant 0 : index
    %get3A_9 = memref.load %arg0[%get3A_7, %get3A_8] : memref<1x1xf32, #tpu.memory_space<smem>>
    %lt3A_10 = vector.broadcast %get3A_9 : f32 to vector<64x1024xf32>
    %lt3A_11 = arith.cmpf olt, %get3A_6, %lt3A_10 : vector<64x1024xf32>
    %gt3A = arith.constant 0 : i32
    %gt3A_12 = vector.broadcast %gt3A : i32 to vector<64x1024xi32>
    %gt3A_13 = arith.cmpi sgt, %iota3A, %gt3A_12 : vector<64x1024xi32>
    %and3A = arith.andi %lt3A_11, %gt3A_13 : vector<64x1024xi1>
    %or3A = arith.ori %lt3A_3, %and3A : vector<64x1024xi1>
    %lt3A_14 = arith.constant 63 : i32
    %lt3A_15 = vector.broadcast %lt3A_14 : i32 to vector<64x1024xi32>
    %lt3A_16 = arith.cmpi slt, %iota3A, %lt3A_15 : vector<64x1024xi32>
    %and3A_17 = arith.andi %or3A, %lt3A_16 : vector<64x1024xi1>
    %jit3A = arith.constant 63 : i32
    %broadcast_in_dim3A = vector.broadcast %jit3A : i32 to vector<64x1024xi32>
    %select_n3A = arith.select %and3A_17, %iota3A, %broadcast_in_dim3A : vector<64x1024xi1>, vector<64x1024xi32>
    %reduce_min3A = arith.constant dense<2147483647> : vector<1024xi32>
    %reduce_min3A_18 = vector.multi_reduction <minsi>, %select_n3A, %reduce_min3A [0] : vector<64x1024xi32> to vector<1024xi32>
    %broadcast_in_dim3A_19 = vector.shape_cast %reduce_min3A_18 : vector<1024xi32> to vector<1x1024xi32>
    %add3A = arith.constant 1 : i32
    %add3A_20 = vector.broadcast %add3A : i32 to vector<1x1024xi32>
    %add3A_21 = arith.addi %broadcast_in_dim3A_19, %add3A_20 : vector<1x1024xi32>
    %swap3A = arith.constant 0 : index
    %swap3A_22 = arith.constant 0 : index
    %swap3A_23 = vector.load %arg5[%swap3A, %swap3A_22] : memref<1x1024xi32, #tpu.memory_space<vmem>>, vector<1x1024xi32>
    tpu.vector_store %arg5[%swap3A, %swap3A_22], %add3A_21 {strides = array<i32>} : memref<1x1024xi32, #tpu.memory_space<vmem>>, vector<1x1024xi32>,
    %scan3A = arith.constant 0 : i32
    %scan3A_24 = arith.constant 64 : i32
    %scan3A_25 = arith.addi %scan3A, %scan3A_24 : i32
    %scan3A_26 = arith.constant 1 : i32
    scf.for %scan3A_28 = %scan3A to %scan3A_25 step %scan3A_26  : i32 {
      %ge3A = vector.broadcast %scan3A_28 : i32 to vector<1x1024xi32>
      %ge3A_29 = arith.cmpi sge, %broadcast_in_dim3A_19, %ge3A : vector<1x1024xi32>
      %get3A_30 = arith.index_cast %scan3A_28 : i32 to index
      %get3A_31 = arith.constant 0 : index
      %get3A_32 = arith.constant 0 : index
      %get3A_33 = vector.load %arg1[%get3A_30, %get3A_31, %get3A_32] : memref<64x3x1024xf32, #tpu.memory_space<vmem>>, vector<1x3x1024xf32>
      %get3A_34 = vector.shape_cast %get3A_33 : vector<1x3x1024xf32> to vector<3x1024xf32>
      %jit3A_35 = arith.constant 0.000000e+00 : f32
      %broadcast_in_dim3A_36 = vector.shape_cast %ge3A_29 : vector<1x1024xi1> to vector<1x1024xi1>
      %broadcast_in_dim3A_37 = vector.broadcast %broadcast_in_dim3A_36 : vector<1x1024xi1> to vector<3x1024xi1>
      %broadcast_in_dim3A_38 = vector.broadcast %jit3A_35 : f32 to vector<3x1024xf32>
      %select_n3A_39 = arith.select %broadcast_in_dim3A_37, %get3A_34, %broadcast_in_dim3A_38 : vector<3x1024xi1>, vector<3x1024xf32>
      %swap3A_40 = arith.index_cast %scan3A_28 : i32 to index
      %swap3A_41 = arith.constant 0 : index
      %swap3A_42 = arith.constant 0 : index
      %swap3A_43 = vector.load %arg4[%swap3A_40, %swap3A_41, %swap3A_42] : memref<64x3x1024xf32, #tpu.memory_space<vmem>>, vector<1x3x1024xf32>
      %swap3A_44 = vector.shape_cast %swap3A_43 : vector<1x3x1024xf32> to vector<3x1024xf32>
      %swap3A_45 = vector.shape_cast %select_n3A_39 : vector<3x1024xf32> to vector<1x3x1024xf32>
      tpu.vector_store %arg4[%swap3A_40, %swap3A_41, %swap3A_42], %swap3A_45 {strides = array<i32>} : memref<64x3x1024xf32, #tpu.memory_space<vmem>>, vector<1x3x1024xf32>,
    }
    %scan3A_27 = arith.constant 64 : i32
    return
  }
}

</mosaic_0001>

<sc_bundles>
// kernel: kernel.5.cloned.1.call-start
scs
__scs_entry_jumppad:
0x0: {  	(pc) =	sbr.rel $0x88, $3  }
0x1: {  	(tag) =	ssettag $0x0;
	lr =	simm.s32 $0x1  }
0x2: {  	[smem:$0x3F9B] =	sst lr;
	_ =	strace $0xD0000000  }
0x3: {  	_ = 	snop  }
0x4: {  	_ = 	snop  }
0x5: {  	_ = 	snop  }
0x6: {  	_ = 	snop  }
0x7: {  	_ = 	snop  }
__scs_overlays_trampoline_lowered:
0x8: {  	[smem:$0x3FAA] =	sst s0  }
0x9: {  	[smem:$0x3FAB] =	sst s1  }
0xa: {  	[smem:$0x3FAC] =	sst s2  }
0xb: {  	[smem:$0x3FAD] =	sst s3  }
0xc: {  	[smem:$0x3FAE] =	sst s4  }
0xd: {  	[smem:$0x3FAF] =	sst s5  }
0xe: {  	[smem:$0x3FB0] =	sst s6  }
0xf: {  	[smem:$0x3FB1] =	sst s7  }
0x10: {  	[smem:$0x3FB2] =	sst s8  }
0x11: {  	[smem:$0x3FB3] =	sst s9;
	s0 =	simm.s32 @!p0 $0x0  }
0x12: {  	s1 =	sld [smem:$0x3F99];
	s0 =	simm.s32 @p0 $0x1  }
0x13: {  	[smem:$0x3FB4] =	sst s0;
	s0 =	simm.s32 @!p1 $0x0  }
0x14: {  	s2 =	sld [smem:$0x3F98];
	s0 =	simm.s32 @p1 $0x1  }
0x15: {  	[smem:$0x3FB5] =	sst s0;
	s0 =	simm.s32 @!p2 $0x0  }
0x16: {  	s3 =	sld [smem:$0x3FDB];
	s0 =	simm.s32 @p2 $0x1  }
0x17: {  	s4 =	simm.s32 $0x1BF5;
	[smem:$0x3FB7] =	sst s0  }
0x18: {  	s0 =	sld [smem:$0x3F9A];
	_ =	swait.ge [sflag:s4], $0x0  }
0x19: {  	s7 =	sld [smem:$0x3F9B]  }
0x1a: {  	s8 =	sadd.s32 $0xFFFFE003, lr  }
0x1b: {  	s9 =	sadd.s32 $0xFFFFFEF7, lr;
	s5 =	simm.s32 $0xFFFFFFFF;
	p2 =	slt.u32 s8, $0xFFFFF086  }
0x1c: {  	p1 =	slt.u32 s9, $0xF7A;
	s5 =	simm.s32 @!p2 $0x0  }
0x1d: {  	s5 =	simm.s32 @p1 $0x1;
	p0 =	seq.s32 s7, s2  }
0x1e: {  	s7 =	smul.u32 @!p0 $0xF7A, s2;
	p2 =	seq.s32 @!p0 s5, $0x0  }
0x1f: {  	s9 =	smul.u32 $0xF7A, s1;
	s8 =	simm.s32 @!p0 $0x1BF5;
	p2 =	por !p2, p0  }
0x20: {  	[sflag:s8] =	ssyncset.s32 @!p0 $0xFFFFF086;
	s6 =	sadd.s32 @!p0 s3, s7;
	s7 =	simm.s32 @!p0 $0x108  }
0x21: {  	s3 =	sadd.s32 s3, s9;
	s6 =	sadd.s32 @!p0 $0x88, s6;
	s7 =	simm.s32 @p2 $0x1082  }
0x22: {  	[simem:s7], [sflag:s8] =	dma.local @!p0 [hbm:s6], $0xF7A  }
0x23: {  	s9 =	sor.u32 $0xD0000000, s2;
	s6 =	simm.s32 $0x108;
	_ =	swait.ge @!p0 [sflag:s8], $0x0  }
0x24: {  	s3 =	sadd.s32 $0x88, s3;
	s6 =	simm.s32 @!p1 $0x1082;
	[sflag:s4] =	ssyncset.s32 $0xFFFFF086  }
0x25: {  	[simem:s6], [sflag:s4] =	dma.local [hbm:s3], $0xF7A  }
0x26: {  	[smem:$0x3F9B] =	sst s1;
	(tag) =	ssettag s2;
	_ =	strace s9  }
0x27: {  	s1 =	sld [smem:$0x3FAB]  }
0x28: {  	s2 =	sld [smem:$0x3FAC]  }
0x29: {  	s4 =	sld [smem:$0x3FAE]  }
0x2a: {  	p0 =	seq.s32 s5, $0x0;
	s5 =	sld [smem:$0x3FAF]  }
0x2b: {  	s6 =	sld [smem:$0x3FB0]  }
0x2c: {  	s7 =	sld [smem:$0x3FB1]  }
0x2d: {  	s3 =	simm.s32 $0x108;
	s8 =	sld [smem:$0x3FB2]  }
0x2e: {  	s3 =	simm.s32 @!p0 $0x1082;
	s9 =	sld [smem:$0x3FB3]  }
0x2f: {  	lr =	sadd.s32 s0, s3;
	s0 =	sld [smem:$0x3FAA]  }
0x30: {  	s3 =	sld [smem:$0x3FAD]  }
0x31: {  	[smem:$0x3FB6] =	sst s10  }
0x32: {  	s10 =	sld [smem:$0x3FB4];
	_ =	sdelay $0x3  }
0x33: {  	p0 =	seq.s32 s10, $0x1;
	s10 =	sld [smem:$0x3FB6];
	_ =	sdelay $0x3  }
0x34: {  	[smem:$0x3FB6] =	sst s10  }
0x35: {  	s10 =	sld [smem:$0x3FB5];
	_ =	sdelay $0x3  }
0x36: {  	p1 =	seq.s32 s10, $0x1;
	s10 =	sld [smem:$0x3FB6];
	_ =	sdelay $0x3  }
0x37: {  	[smem:$0x3FB6] =	sst s10  }
0x38: {  	s10 =	sld [smem:$0x3FB7]  }
0x39: {  	_ = 	snop;
	(pc) =	sbr.ind lr, $3  }
0x3a: {  	_ = 	snop  }
0x3b: {  	_ = 	snop  }
0x3c: {  	p2 =	seq.s32 s10, $0x1;
	s10 =	sld [smem:$0x3FB6]  }
0x3d: {  	_ =	shalt  }
0x3e: {  	_ =	shalt  }
0x3f: {  	_ =	shalt  }
0x40: {  	_ =	shalt  }
0x41: {  	_ =	shalt  }
0x42: {  	_ =	shalt  }
0x43: {  	_ =	shalt  }
0x44: {  	_ =	shalt  }
0x45: {  	_ =	shalt  }
0x46: {  	_ =	shalt  }
0x47: {  	_ =	shalt  }
0x48: {  	_ =	shalt  }
0x49: {  	_ =	shalt  }
0x4a: {  	_ =	shalt  }
0x4b: {  	_ =	shalt  }
0x4c: {  	_ =	shalt  }
0x4d: {  	_ =	shalt  }
0x4e: {  	_ =	shalt  }
0x4f: {  	_ =	shalt  }
0x50: {  	_ =	shalt  }
0x51: {  	_ =	shalt  }
0x52: {  	_ =	shalt  }
0x53: {  	_ =	shalt  }
0x54: {  	_ =	shalt  }
0x55: {  	_ =	shalt  }
0x56: {  	_ =	shalt  }
0x57: {  	_ =	shalt  }
0x58: {  	_ =	shalt  }
0x59: {  	_ =	shalt  }
0x5a: {  	_ =	shalt  }
0x5b: {  	_ =	shalt  }
0x5c: {  	_ =	shalt  }
0x5d: {  	_ =	shalt  }
0x5e: {  	_ =	shalt  }
0x5f: {  	_ =	shalt  }
0x60: {  	_ =	shalt  }
0x61: {  	_ =	shalt  }
0x62: {  	_ =	shalt  }
0x63: {  	_ =	shalt  }
0x64: {  	_ =	shalt  }
0x65: {  	_ =	shalt  }
0x66: {  	_ =	shalt  }
0x67: {  	_ =	shalt  }
0x68: {  	_ =	shalt  }
0x69: {  	_ =	shalt  }
0x6a: {  	_ =	shalt  }
0x6b: {  	_ =	shalt  }
0x6c: {  	_ =	shalt  }
0x6d: {  	_ =	shalt  }
0x6e: {  	_ =	shalt  }
0x6f: {  	_ =	shalt  }
0x70: {  	_ =	shalt  }
0x71: {  	_ =	shalt  }
0x72: {  	_ =	shalt  }
0x73: {  	_ =	shalt  }
0x74: {  	_ =	shalt  }
0x75: {  	_ =	shalt  }
0x76: {  	_ =	shalt  }
0x77: {  	_ =	shalt  }
0x78: {  	_ =	shalt  }
0x79: {  	_ =	shalt  }
0x7a: {  	_ =	shalt  }
0x7b: {  	_ =	shalt  }
0x7c: {  	_ =	shalt  }
0x7d: {  	_ =	shalt  }
0x7e: {  	_ =	shalt  }
0x7f: {  	_ =	shalt  }
0x80: {  	_ =	shalt  }
0x81: {  	_ =	shalt  }
0x82: {  	_ =	shalt  }
0x83: {  	_ =	shalt  }
0x84: {  	_ =	shalt  }
0x85: {  	_ =	shalt  }
0x86: {  	_ =	shalt  }
0x87: {  	_ =	shalt  }
.Lfunc_end0:
.L_simem_size_0:
called_computation_lowered:
.L_overlay_start_0:
0x88: {  	s2 =	sld [smem:$0x3FD9]  }
0x89: {  	s3 =	sld [smem:$0x3FFE];
	_ =	sdelay $0x1  }
0x8a: {  	s1 =	srdreg.scid  }
0x8b: {  	s0 =	sand.u32 $0x1, s1  }
0x8c: {  	s14 =	sshll.u32 s0, $0xA;
	s2 =	sadd.s32 s3, s2  }
0x8d: {  	s2 =	sadd.s32 s2, s14  }
0x8e: {  	[smem:$0x3FC2] =	sst s2  }
0x8f: {  	_ = 	snop  }
0x90: {  	s2 =	sld [smem:$0x3FD0];
	_ =	sdelay $0x2  }
0x91: {  	s15 =	simm.s32 $0xA;
	s4 =	simm.s32 $0x10  }
0x92: {  	[smem:s4], [sflag:s15] =	dma.local [hbm:s2], $0x1  }
0x93: {  	_ =	swait.eq [sflag:s15], $0x1  }
0x94: {  	[sflag:s15] =	ssyncset.done $0x0  }
0x95: {  	[sflag:s15] =	ssyncadd.s32 $0xFFFFFFFF  }
0x96: {  	s16 =	sld [smem:$0x10];
	(tm) =	ssettm $0x1  }
0x97: {  	s17 =	sld [smem:$0x3FFB];
	_ =	sdelay $0x3  }
0x98: {  	_ =	strace s17  }
0x99: {  	s3 =	sld [smem:$0x3FFC];
	_ =	sdelay $0x3  }
0x9a: {  	_ =	strace s3  }
0x9b: {  	s3 =	sld [smem:$0x3FFD];
	_ =	sdelay $0x3  }
0x9c: {  	_ =	strace s3  }
0x9d: {  	_ =	strace $0x8FFFFFFF  }
0x9e: {  	s18 =	sld [smem:$0x3FDB];
	_ =	sdelay $0x1  }
0x9f: {  	s19 =	simm.s32 $_scs_section_size  }
0xa0: {  	s5 =	simm.s32 $_size__tile_overlayer_lowered;
	s6 =	simm.s32 $_tile_overlayer_lowered  }
0xa1: {  	s22 =	simm.s32 $0x1BFF;
	s21 =	sshll.u32 s6, $0x1;
	s3 =	sadd.s32 s19, s18  }
0xa2: {  	s7 =	simm.s32 $0x0;
	s20 =	sshll.u32 s5, $0x1;
	s5 =	sadd.s32 s21, s3  }
0xa3: {  	[timem:s7], [sflag:s22] =	dma.local [hbm:s5], s20  }
0xa4: {  	_ =	swait.ge [sflag:s22], s20  }
0xa5: {  	s4 =	ssub.s32 $0x0, s20;
	[sflag:s22] =	ssyncset.done $0x0  }
0xa6: {  	[sflag:s22] =	ssyncadd.s32 s4;
	_ =	sdelay $0x1  }
0xa7: {  	s23 =	simm.s32 $0x1B8B  }
0xa8: {  	_ =	swait.ge [sflag:s23], $0x1  }
0xa9: {  	[sflag:s23] =	ssyncset.done $0x0  }
0xaa: {  	s25 =	simm.s32 $0x1B8E;
	s24 =	sld [smem:$0x3FFE];
	[sflag:s23] =	ssyncadd.s32 $0xFFFFFFFF  }
0xab: {  	s26 =	simm.s32 $execute0_lowered;
	[smem:$0x3FD2] =	sst s25  }
0xac: {  	s5 =	sshll.u32 s26, $0x1;
	_ =	strace $0x80000046;
	[dreg:$0x1] =	wrdreg $0xFFFFFFFF  }
0xad: {  	s28 =	simm.s32 $_size_execute0_lowered;
	s3 =	sadd.s32 s3, s5;
	[dreg:$0x0] =	wrdreg $0x0  }
0xae: {  	s5 =	sshll.u32 s28, $0x1;
	[dreg:$0x2] =	wrdreg s3  }
0xaf: {  	[dreg:$0x3] =	wrdreg s5  }
0xb0: {  	[dreg:$0x4] =	wrdreg $0xC0  }
0xb1: {  	_ =	task [dreg:s7], $0x5FFFF  }
0xb2: {  	[dreg:$0x1] =	wrdreg $0xFFFFFFFF  }
0xb3: {  	[dreg:$0x0] =	wrdreg $0x60  }
0xb4: {  	[dreg:$0x2] =	wrdreg s16  }
0xb5: {  	[dreg:$0x3] =	wrdreg s24  }
0xb6: {  	[dreg:$0x4] =	wrdreg $0x9  }
0xb7: {  	_ =	task.clear_ibuf [dreg:s7], $0x5FFFF;
	_ =	strace $0x90000046  }
0xb8: {  	s29 =	simm.s32 $0x9;
	_ =	strace $0x80000048  }
0xb9: {  	_ =	swait.ge [sflag:s29], $0x1  }
0xba: {  	[sflag:s29] =	ssyncadd.s32 $0xFFFFFFFF  }
0xbb: {  	_ =	strace $0x90000048  }
0xbc: {  	_ =	sfence  }
0xbd: {  	s30 =	sld [smem:$0x0];
	_ =	sdelay $0x2  }
0xbe: {  	s31 =	sshll.u32 s1, $0xD;
	s1 =	sshrl.u32 s1, $0x2  }
0xbf: {  	s3 =	sand.u32 $0x4000, s31;
	s1 =	sadd.s32 s1, s30  }
0xc0: {  	s0 =	sor.u32 s3, s0;
	s1 =	sshll.u32 s1, $0x11  }
0xc1: {  	s0 =	sor.u32 s1, s0  }
0xc2: {  	s0 =	sadd.s32 $0x8F2B, s0  }
0xc3: {  	[sflag:s0] =	ssyncadd.remote.s32 $0x1  }
0xc4: {  	_ =	sfence.sel $0xFFFF  }
0xc5: {  	[dreg:$0x0] =	wrdreg $0xFFFFFFFF;
	(pc) =	sbr.abs _section_cstart, $3  }
0xc6: {  	[dreg:$0x1] =	wrdreg $0xFFFFFFFF  }
0xc7: {  	_ =	task.clear_ibuf [dreg:s7], $0x2FFFF;
	_ =	strace $0x9FFFFFFF  }
0xc8: {  	(tm) =	ssettm $0x7FFFFFFF  }
0xc9: {  	_ =	shalt  }
tec
execute0_lowered:
.L_overlay_start_1:
0x0: {  	(tag) =	ssettag $0x1  }
0x1: {  	s0 =	rddreg [dreg:$0x0]  }
0x2: {  	s3 =	rddreg [dreg:$0x1]  }
0x3: {  	s2 =	srdreg.scid;
	s1 =	stileid.u32  }
0x4: {  	s7 =	simm.s32 $0x100;
	s8 =	simm.s32 $0x900;
	s9 =	simm.s32 $0x180  }
0x5: {  	s25 =	simm.s32 $0x980;
	s26 =	simm.s32 $0x200;
	s11 =	simm.s32 $0x300  }
0x6: {  	s12 =	simm.s32 $0xB00;
	s13 =	simm.s32 $0x380;
	s14 =	simm.s32 $0xB80  }
0x7: {  	s15 =	simm.s32 $0x400;
	s16 =	simm.s32 $0xC00;
	s17 =	simm.s32 $0x480  }
0x8: {  	s18 =	simm.s32 $0xC80;
	s19 =	simm.s32 $0x500;
	s20 =	simm.s32 $0xD00  }
0x9: {  	s21 =	simm.s32 $0x580;
	s22 =	simm.s32 $0xD80;
	s4 =	sand.u32 $0x1, s2  }
0xa: {  	s2 =	simm.s32 $0x0;
	s5 =	sshll.u32 s1, $0x9;
	s6 =	sshll.u32 s4, $0x8  }
0xb: {  	s23 =	simm.s32 $0x600;
	[smem:$0x7FF] =	sst s2;
	s5 =	sor.u32 s6, s5  }
0xc: {  	_ =	strace $0x80000047;
	[dreg:$0x6] =	wrdreg s7;
	s6 =	sadd.s32 s5, s3  }
0xd: {  	s0 =	sadd.s32 s0, s5;
	s5 =	ssub.s32 $0x2, s4;
	s1 =	sadd.s32 $0x1B400, s6  }
0xe: {  	s6 =	sadd.s32 $0x400, s3;
	s3 =	simm.s32 $0x880;
	s4 =	sshrl.u32 s5, $0x1  }
0xf: {  	s24 =	simm.s32 $0xE00;
	[dreg:$0x5] =	wrdreg s3;
	s3 =	ssub.s32 s5, s4  }
0x10: {  	p0 =	por $0x0, $0x0;
	[dreg:$0x7] =	wrdreg s8;
	s10 =	smax.u32 s3, $0x1  }
0x11: {  	s28 =	simm.s32 $0x700;
	[dreg:$0x8] =	wrdreg s9;
	p1 =	sne.s32 s10, $0x1  }
.Ltmp0:
0x12: {  	s29 =	simm.s32 $0xF00;
	[dreg:$0x9] =	wrdreg s25;
	(pc) =	sbr.rel @!p1 .LBB2_3-.Ltmp0, $4  }
0x13: {  	s30 =	simm.s32 $0x780;
	s31 =	simm.s32 $0xF80;
	[dreg:$0xa] =	wrdreg s26  }
0x14: {  	s7 =	simm.s32 $0x80;
	s25 =	simm.s32 $0x680;
	[dreg:$0x3] =	wrdreg s0  }
0x15: {  	s26 =	simm.s32 $0xE80;
	[dreg:$0x4] =	wrdreg s1;
	s4 =	simm.s32 $0x800  }
0x16: {  	s5 =	simm.s32 $0x1;
	s3 =	simm.s32 $0x2;
	s0 =	sadd.s32 $0xFFFFFFFF, s10  }
0x17: {  	s1 =	rddreg [dreg:$0x3]  }
0x18: {  	[tilespmem:s2], [sflag:$0x2] =	stream.linear.gather [hbm4b:s1+s2], $0x800, $0x38;
	[tilespmem:$0x1000] =	vst v63  }
0x19: {  	_ =	swait.ge [sflag:s3], $0x800  }
0x1a: {  	s10 =	rddreg [dreg:$0x6]  }
0x1b: {  	s1 =	rddreg [dreg:$0x7]  }
0x1c: {  	s8 =	rddreg [dreg:$0x9]  }
0x1d: {  	[dreg:$0xb] =	wrdreg s10  }
0x1e: {  	[sflag:s3] =	ssyncset.done $0x0;
	s10 =	smov.u32 s0;
	s0 =	rddreg [dreg:$0x5]  }
0x1f: {  	[sflag:s3] =	ssyncadd.s32 $0xFFFFF800;
	[dreg:$0xc] =	wrdreg s8  }
0x20: {  	[tilespmem:s4], [sflag:$0x1] =	stream.indirect.gather [hbm4b:s6+s7], $0x1, s2, s7, $0xb8;
	[tilespmem:$0x1000] =	vst v63  }
0x21: {  	s8 =	rddreg [dreg:$0xb]  }
0x22: {  	[tilespmem:s0], [sflag:$0x1] =	stream.indirect.gather [hbm4b:s6+s7], $0x1, s7, s7, $0xb8;
	[tilespmem:$0x1000] =	vst v63  }
0x23: {  	s0 =	rddreg [dreg:$0x8]  }
0x24: {  	[tilespmem:s1], [sflag:$0x1] =	stream.indirect.gather [hbm4b:s6+s7], $0x1, s8, s7, $0xb8;
	[tilespmem:$0x1000] =	vst v63  }
0x25: {  	s8 =	rddreg [dreg:$0xc]  }
0x26: {  	[tilespmem:s8], [sflag:$0x1] =	stream.indirect.gather [hbm4b:s6+s7], $0x1, s0, s7, $0xb8;
	[tilespmem:$0x1000] =	vst v63  }
0x27: {  	s9 =	simm.s32 $0xA00;
	s1 =	rddreg [dreg:$0xa]  }
0x28: {  	[tilespmem:s9], [sflag:$0x1] =	stream.indirect.gather [hbm4b:s6+s7], $0x1, s1, s7, $0xb8;
	[tilespmem:$0x1000] =	vst v63  }
0x29: {  	s8 =	simm.s32 $0x280;
	s1 =	simm.s32 $0xA80  }
0x2a: {  	[tilespmem:s1], [sflag:$0x1] =	stream.indirect.gather [hbm4b:s6+s7], $0x1, s8, s7, $0xb8;
	[tilespmem:$0x1000] =	vst v63  }
0x2b: {  	_ = 	snop  }
0x2c: {  	[tilespmem:s12], [sflag:$0x1] =	stream.indirect.gather [hbm4b:s6+s7], $0x1, s11, s7, $0xb8;
	[tilespmem:$0x1000] =	vst v63  }
0x2d: {  	_ = 	snop  }
0x2e: {  	[tilespmem:s14], [sflag:$0x1] =	stream.indirect.gather [hbm4b:s6+s7], $0x1, s13, s7, $0xb8;
	[tilespmem:$0x1000] =	vst v63  }
0x2f: {  	_ = 	snop  }
0x30: {  	[tilespmem:s16], [sflag:$0x1] =	stream.indirect.gather [hbm4b:s6+s7], $0x1, s15, s7, $0xb8;
	[tilespmem:$0x1000] =	vst v63  }
0x31: {  	_ = 	snop  }
0x32: {  	[tilespmem:s18], [sflag:$0x1] =	stream.indirect.gather [hbm4b:s6+s7], $0x1, s17, s7, $0xb8;
	[tilespmem:$0x1000] =	vst v63  }
0x33: {  	_ = 	snop  }
0x34: {  	[tilespmem:s20], [sflag:$0x1] =	stream.indirect.gather [hbm4b:s6+s7], $0x1, s19, s7, $0xb8;
	[tilespmem:$0x1000] =	vst v63  }
0x35: {  	_ = 	snop  }
0x36: {  	[tilespmem:s22], [sflag:$0x1] =	stream.indirect.gather [hbm4b:s6+s7], $0x1, s21, s7, $0xb8;
	[tilespmem:$0x1000] =	vst v63  }
0x37: {  	_ = 	snop  }
0x38: {  	[tilespmem:s24], [sflag:$0x1] =	stream.indirect.gather [hbm4b:s6+s7], $0x1, s23, s7, $0xb8;
	[tilespmem:$0x1000] =	vst v63  }
0x39: {  	_ = 	snop  }
0x3a: {  	[tilespmem:s26], [sflag:$0x1] =	stream.indirect.gather [hbm4b:s6+s7], $0x1, s25, s7, $0xb8;
	[tilespmem:$0x1000] =	vst v63  }
0x3b: {  	_ = 	snop  }
0x3c: {  	[tilespmem:s29], [sflag:$0x1] =	stream.indirect.gather [hbm4b:s6+s7], $0x1, s28, s7, $0xb8;
	[tilespmem:$0x1000] =	vst v63  }
0x3d: {  	_ = 	snop  }
0x3e: {  	[tilespmem:s31], [sflag:$0x1] =	stream.indirect.gather [hbm4b:s6+s7], $0x1, s30, s7, $0xb8;
	[tilespmem:$0x1000] =	vst v63  }
0x3f: {  	_ =	swait.ge [sflag:s5], $0x80  }
0x40: {  	[sflag:s5] =	ssyncset.done $0x0  }
0x41: {  	[sflag:s5] =	ssyncadd.s32 $0xFFFFFF80  }
0x42: {  	_ =	swait.ge [sflag:s5], $0x80  }
0x43: {  	[sflag:s5] =	ssyncset.done $0x0  }
0x44: {  	[sflag:s5] =	ssyncadd.s32 $0xFFFFFF80  }
0x45: {  	_ =	swait.ge [sflag:s5], $0x80  }
0x46: {  	[sflag:s5] =	ssyncset.done $0x0  }
0x47: {  	[sflag:s5] =	ssyncadd.s32 $0xFFFFFF80  }
0x48: {  	_ =	swait.ge [sflag:s5], $0x80  }
0x49: {  	[sflag:s5] =	ssyncset.done $0x0  }
0x4a: {  	[sflag:s5] =	ssyncadd.s32 $0xFFFFFF80  }
0x4b: {  	_ =	swait.ge [sflag:s5], $0x80  }
0x4c: {  	[sflag:s5] =	ssyncset.done $0x0  }
0x4d: {  	[sflag:s5] =	ssyncadd.s32 $0xFFFFFF80  }
0x4e: {  	_ =	swait.ge [sflag:s5], $0x80  }
0x4f: {  	[sflag:s5] =	ssyncset.done $0x0  }
0x50: {  	[sflag:s5] =	ssyncadd.s32 $0xFFFFFF80  }
0x51: {  	_ =	swait.ge [sflag:s5], $0x80  }
0x52: {  	[sflag:s5] =	ssyncset.done $0x0  }
0x53: {  	[sflag:s5] =	ssyncadd.s32 $0xFFFFFF80  }
0x54: {  	_ =	swait.ge [sflag:s5], $0x80  }
0x55: {  	[sflag:s5] =	ssyncset.done $0x0  }
0x56: {  	[sflag:s5] =	ssyncadd.s32 $0xFFFFFF80  }
0x57: {  	_ =	swait.ge [sflag:s5], $0x80  }
0x58: {  	[sflag:s5] =	ssyncset.done $0x0  }
0x59: {  	[sflag:s5] =	ssyncadd.s32 $0xFFFFFF80  }
0x5a: {  	_ =	swait.ge [sflag:s5], $0x80  }
0x5b: {  	[sflag:s5] =	ssyncset.done $0x0  }
0x5c: {  	[sflag:s5] =	ssyncadd.s32 $0xFFFFFF80  }
0x5d: {  	_ =	swait.ge [sflag:s5], $0x80  }
0x5e: {  	[sflag:s5] =	ssyncset.done $0x0  }
0x5f: {  	[sflag:s5] =	ssyncadd.s32 $0xFFFFFF80  }
0x60: {  	_ =	swait.ge [sflag:s5], $0x80  }
0x61: {  	[sflag:s5] =	ssyncset.done $0x0  }
0x62: {  	[sflag:s5] =	ssyncadd.s32 $0xFFFFFF80  }
0x63: {  	_ =	swait.ge [sflag:s5], $0x80  }
0x64: {  	[sflag:s5] =	ssyncset.done $0x0  }
0x65: {  	[sflag:s5] =	ssyncadd.s32 $0xFFFFFF80  }
0x66: {  	_ =	swait.ge [sflag:s5], $0x80  }
0x67: {  	[sflag:s5] =	ssyncset.done $0x0  }
0x68: {  	[sflag:s5] =	ssyncadd.s32 $0xFFFFFF80  }
0x69: {  	_ =	swait.ge [sflag:s5], $0x80  }
0x6a: {  	p1 =	sne.s32 s10, $0x1;
	[sflag:s5] =	ssyncset.done $0x0  }
.Ltmp1:
0x6b: {  	[sflag:s5] =	ssyncadd.s32 $0xFFFFFF80;
	(pc) =	sbr.rel @!p1 .LBB2_3-.Ltmp1, $4  }
0x6c: {  	_ =	swait.ge [sflag:s5], $0x80  }
0x6d: {  	p0 =	por $0x1, $0x1;
	[sflag:s5] =	ssyncset.done $0x0  }
0x6e: {  	s0 =	sadd.s32 $0xFFFFFFFF, s10;
	s9 =	rddreg [dreg:$0x4];
	[sflag:s5] =	ssyncadd.s32 $0xFFFFFF80  }
0x6f: {  	[hbm4b:s9+s2] =	stream.linear.scatter [tilespmem:s4], [sflag:$0x2], $0x800, $0x38;
	[tilespmem:$0x1000] =	vst v63  }
.LBB2_2:
0x70: {  	_ =	swait.ge [sflag:s3], $0x800  }
0x71: {  	[sflag:s3] =	ssyncset.done $0x0  }
0x72: {  	s1 =	rddreg [dreg:$0x3];
	[sflag:s3] =	ssyncadd.s32 $0xFFFFF800  }
0x73: {  	[tilespmem:s2], [sflag:$0x2] =	stream.linear.gather [hbm4b:s1+s2], $0x800, $0x38;
	[tilespmem:$0x1000] =	vst v63  }
0x74: {  	_ =	swait.ge [sflag:s3], $0x800  }
0x75: {  	s1 =	rddreg [dreg:$0x6];
	[sflag:s3] =	ssyncset.done $0x0  }
0x76: {  	s8 =	rddreg [dreg:$0x5];
	[sflag:s3] =	ssyncadd.s32 $0xFFFFF800  }
0x77: {  	[tilespmem:s4], [sflag:$0x1] =	stream.indirect.gather [hbm4b:s6+s7], $0x1, s2, s7, $0xb8;
	[tilespmem:$0x1000] =	vst v63  }
0x78: {  	s9 =	rddreg [dreg:$0x7]  }
0x79: {  	[tilespmem:s8], [sflag:$0x1] =	stream.indirect.gather [hbm4b:s6+s7], $0x1, s7, s7, $0xb8;
	[tilespmem:$0x1000] =	vst v63  }
0x7a: {  	s10 =	rddreg [dreg:$0x9]  }
0x7b: {  	[tilespmem:s9], [sflag:$0x1] =	stream.indirect.gather [hbm4b:s6+s7], $0x1, s1, s7, $0xb8;
	[tilespmem:$0x1000] =	vst v63  }
0x7c: {  	s8 =	rddreg [dreg:$0x8]  }
0x7d: {  	[tilespmem:s10], [sflag:$0x1] =	stream.indirect.gather [hbm4b:s6+s7], $0x1, s8, s7, $0xb8;
	[tilespmem:$0x1000] =	vst v63  }
0x7e: {  	s1 =	rddreg [dreg:$0xa];
	s10 =	simm.s32 $0xA00  }
0x7f: {  	[tilespmem:s10], [sflag:$0x1] =	stream.indirect.gather [hbm4b:s6+s7], $0x1, s1, s7, $0xb8;
	[tilespmem:$0x1000] =	vst v63  }
0x80: {  	s9 =	simm.s32 $0x280;
	s8 =	simm.s32 $0xA80  }
0x81: {  	[tilespmem:s8], [sflag:$0x1] =	stream.indirect.gather [hbm4b:s6+s7], $0x1, s9, s7, $0xb8;
	[tilespmem:$0x1000] =	vst v63  }
0x82: {  	_ = 	snop  }
0x83: {  	[tilespmem:s12], [sflag:$0x1] =	stream.indirect.gather [hbm4b:s6+s7], $0x1, s11, s7, $0xb8;
	[tilespmem:$0x1000] =	vst v63  }
0x84: {  	_ = 	snop  }
0x85: {  	[tilespmem:s14], [sflag:$0x1] =	stream.indirect.gather [hbm4b:s6+s7], $0x1, s13, s7, $0xb8;
	[tilespmem:$0x1000] =	vst v63  }
0x86: {  	_ = 	snop  }
0x87: {  	[tilespmem:s16], [sflag:$0x1] =	stream.indirect.gather [hbm4b:s6+s7], $0x1, s15, s7, $0xb8;
	[tilespmem:$0x1000] =	vst v63  }
0x88: {  	_ = 	snop  }
0x89: {  	[tilespmem:s18], [sflag:$0x1] =	stream.indirect.gather [hbm4b:s6+s7], $0x1, s17, s7, $0xb8;
	[tilespmem:$0x1000] =	vst v63  }
0x8a: {  	_ = 	snop  }
0x8b: {  	[tilespmem:s20], [sflag:$0x1] =	stream.indirect.gather [hbm4b:s6+s7], $0x1, s19, s7, $0xb8;
	[tilespmem:$0x1000] =	vst v63  }
0x8c: {  	_ = 	snop  }
0x8d: {  	[tilespmem:s22], [sflag:$0x1] =	stream.indirect.gather [hbm4b:s6+s7], $0x1, s21, s7, $0xb8;
	[tilespmem:$0x1000] =	vst v63  }
0x8e: {  	_ = 	snop  }
0x8f: {  	[tilespmem:s24], [sflag:$0x1] =	stream.indirect.gather [hbm4b:s6+s7], $0x1, s23, s7, $0xb8;
	[tilespmem:$0x1000] =	vst v63  }
0x90: {  	_ = 	snop  }
0x91: {  	[tilespmem:s26], [sflag:$0x1] =	stream.indirect.gather [hbm4b:s6+s7], $0x1, s25, s7, $0xb8;
	[tilespmem:$0x1000] =	vst v63  }
0x92: {  	_ = 	snop  }
0x93: {  	[tilespmem:s29], [sflag:$0x1] =	stream.indirect.gather [hbm4b:s6+s7], $0x1, s28, s7, $0xb8;
	[tilespmem:$0x1000] =	vst v63  }
0x94: {  	_ = 	snop  }
0x95: {  	[tilespmem:s31], [sflag:$0x1] =	stream.indirect.gather [hbm4b:s6+s7], $0x1, s30, s7, $0xb8;
	[tilespmem:$0x1000] =	vst v63  }
0x96: {  	_ =	swait.ge [sflag:s5], $0x80  }
0x97: {  	[sflag:s5] =	ssyncset.done $0x0  }
0x98: {  	[sflag:s5] =	ssyncadd.s32 $0xFFFFFF80  }
0x99: {  	_ =	swait.ge [sflag:s5], $0x80  }
0x9a: {  	[sflag:s5] =	ssyncset.done $0x0  }
0x9b: {  	[sflag:s5] =	ssyncadd.s32 $0xFFFFFF80  }
0x9c: {  	_ =	swait.ge [sflag:s5], $0x80  }
0x9d: {  	[sflag:s5] =	ssyncset.done $0x0  }
0x9e: {  	[sflag:s5] =	ssyncadd.s32 $0xFFFFFF80  }
0x9f: {  	_ =	swait.ge [sflag:s5], $0x80  }
0xa0: {  	[sflag:s5] =	ssyncset.done $0x0  }
0xa1: {  	[sflag:s5] =	ssyncadd.s32 $0xFFFFFF80  }
0xa2: {  	_ =	swait.ge [sflag:s5], $0x80  }
0xa3: {  	[sflag:s5] =	ssyncset.done $0x0  }
0xa4: {  	[sflag:s5] =	ssyncadd.s32 $0xFFFFFF80  }
0xa5: {  	_ =	swait.ge [sflag:s5], $0x80  }
0xa6: {  	[sflag:s5] =	ssyncset.done $0x0  }
0xa7: {  	[sflag:s5] =	ssyncadd.s32 $0xFFFFFF80  }
0xa8: {  	_ =	swait.ge [sflag:s5], $0x80  }
0xa9: {  	[sflag:s5] =	ssyncset.done $0x0  }
0xaa: {  	[sflag:s5] =	ssyncadd.s32 $0xFFFFFF80  }
0xab: {  	_ =	swait.ge [sflag:s5], $0x80  }
0xac: {  	[sflag:s5] =	ssyncset.done $0x0  }
0xad: {  	[sflag:s5] =	ssyncadd.s32 $0xFFFFFF80  }
0xae: {  	_ =	swait.ge [sflag:s5], $0x80  }
0xaf: {  	[sflag:s5] =	ssyncset.done $0x0  }
0xb0: {  	[sflag:s5] =	ssyncadd.s32 $0xFFFFFF80  }
0xb1: {  	_ =	swait.ge [sflag:s5], $0x80  }
0xb2: {  	[sflag:s5] =	ssyncset.done $0x0  }
0xb3: {  	[sflag:s5] =	ssyncadd.s32 $0xFFFFFF80  }
0xb4: {  	_ =	swait.ge [sflag:s5], $0x80  }
0xb5: {  	[sflag:s5] =	ssyncset.done $0x0  }
0xb6: {  	[sflag:s5] =	ssyncadd.s32 $0xFFFFFF80  }
0xb7: {  	_ =	swait.ge [sflag:s5], $0x80  }
0xb8: {  	[sflag:s5] =	ssyncset.done $0x0  }
0xb9: {  	[sflag:s5] =	ssyncadd.s32 $0xFFFFFF80  }
0xba: {  	_ =	swait.ge [sflag:s5], $0x80  }
0xbb: {  	[sflag:s5] =	ssyncset.done $0x0  }
0xbc: {  	[sflag:s5] =	ssyncadd.s32 $0xFFFFFF80  }
0xbd: {  	_ =	swait.ge [sflag:s5], $0x80  }
0xbe: {  	[sflag:s5] =	ssyncset.done $0x0  }
0xbf: {  	[sflag:s5] =	ssyncadd.s32 $0xFFFFFF80  }
0xc0: {  	_ =	swait.ge [sflag:s5], $0x80  }
0xc1: {  	p1 =	sne.s32 s0, $0x1;
	[sflag:s5] =	ssyncset.done $0x0  }
.Ltmp2:
0xc2: {  	[sflag:s5] =	ssyncadd.s32 $0xFFFFFF80;
	(pc) =	sbr.rel @p1 .LBB2_2-.Ltmp2, $4  }
0xc3: {  	_ =	swait.ge [sflag:s5], $0x80  }
0xc4: {  	[sflag:s5] =	ssyncset.done $0x0  }
0xc5: {  	s0 =	sadd.s32 $0xFFFFFFFF, s0;
	s10 =	rddreg [dreg:$0x4];
	[sflag:s5] =	ssyncadd.s32 $0xFFFFFF80  }
0xc6: {  	[hbm4b:s10+s2] =	stream.linear.scatter [tilespmem:s4], [sflag:$0x2], $0x800, $0x38;
	[tilespmem:$0x1000] =	vst v63  }
.LBB2_3:
0xc7: {  	_ =	swait.ge @p0 [sflag:s3], $0x800  }
0xc8: {  	[sflag:s3] =	ssyncset.done @p0 $0x0  }
0xc9: {  	s0 =	rddreg [dreg:$0x3];
	[sflag:s3] =	ssyncadd.s32 @p0 $0xFFFFF800  }
0xca: {  	[tilespmem:s2], [sflag:$0x2] =	stream.linear.gather [hbm4b:s0+s2], $0x800, $0x38;
	[tilespmem:$0x1000] =	vst v63  }
0xcb: {  	_ =	swait.ge [sflag:s3], $0x800  }
0xcc: {  	[sflag:s3] =	ssyncset.done $0x0;
	s10 =	rddreg [dreg:$0x5]  }
0xcd: {  	s0 =	rddreg [dreg:$0x6];
	[sflag:s3] =	ssyncadd.s32 $0xFFFFF800  }
0xce: {  	[tilespmem:s4], [sflag:$0x1] =	stream.indirect.gather [hbm4b:s6+s7], $0x1, s2, s7, $0xb8;
	[tilespmem:$0x1000] =	vst v63  }
0xcf: {  	s1 =	rddreg [dreg:$0x7]  }
0xd0: {  	[tilespmem:s10], [sflag:$0x1] =	stream.indirect.gather [hbm4b:s6+s7], $0x1, s7, s7, $0xb8;
	[tilespmem:$0x1000] =	vst v63  }
0xd1: {  	s8 =	rddreg [dreg:$0x9]  }
0xd2: {  	[tilespmem:s1], [sflag:$0x1] =	stream.indirect.gather [hbm4b:s6+s7], $0x1, s0, s7, $0xb8;
	[tilespmem:$0x1000] =	vst v63  }
0xd3: {  	s9 =	rddreg [dreg:$0x8]  }
0xd4: {  	[tilespmem:s8], [sflag:$0x1] =	stream.indirect.gather [hbm4b:s6+s7], $0x1, s9, s7, $0xb8;
	[tilespmem:$0x1000] =	vst v63  }
0xd5: {  	s10 =	simm.s32 $0xA00;
	s1 =	rddreg [dreg:$0xa]  }
0xd6: {  	[tilespmem:s10], [sflag:$0x1] =	stream.indirect.gather [hbm4b:s6+s7], $0x1, s1, s7, $0xb8;
	[tilespmem:$0x1000] =	vst v63  }
0xd7: {  	s9 =	simm.s32 $0xA80;
	s10 =	simm.s32 $0x280  }
0xd8: {  	[tilespmem:s9], [sflag:$0x1] =	stream.indirect.gather [hbm4b:s6+s7], $0x1, s10, s7, $0xb8;
	[tilespmem:$0x1000] =	vst v63  }
0xd9: {  	_ = 	snop  }
0xda: {  	[tilespmem:s12], [sflag:$0x1] =	stream.indirect.gather [hbm4b:s6+s7], $0x1, s11, s7, $0xb8;
	[tilespmem:$0x1000] =	vst v63  }
0xdb: {  	_ = 	snop  }
0xdc: {  	[tilespmem:s14], [sflag:$0x1] =	stream.indirect.gather [hbm4b:s6+s7], $0x1, s13, s7, $0xb8;
	[tilespmem:$0x1000] =	vst v63  }
0xdd: {  	_ = 	snop  }
0xde: {  	[tilespmem:s16], [sflag:$0x1] =	stream.indirect.gather [hbm4b:s6+s7], $0x1, s15, s7, $0xb8;
	[tilespmem:$0x1000] =	vst v63  }
0xdf: {  	_ = 	snop  }
0xe0: {  	[tilespmem:s18], [sflag:$0x1] =	stream.indirect.gather [hbm4b:s6+s7], $0x1, s17, s7, $0xb8;
	[tilespmem:$0x1000] =	vst v63  }
0xe1: {  	_ = 	snop  }
0xe2: {  	[tilespmem:s20], [sflag:$0x1] =	stream.indirect.gather [hbm4b:s6+s7], $0x1, s19, s7, $0xb8;
	[tilespmem:$0x1000] =	vst v63  }
0xe3: {  	_ = 	snop  }
0xe4: {  	[tilespmem:s22], [sflag:$0x1] =	stream.indirect.gather [hbm4b:s6+s7], $0x1, s21, s7, $0xb8;
	[tilespmem:$0x1000] =	vst v63  }
0xe5: {  	_ = 	snop  }
0xe6: {  	[tilespmem:s24], [sflag:$0x1] =	stream.indirect.gather [hbm4b:s6+s7], $0x1, s23, s7, $0xb8;
	[tilespmem:$0x1000] =	vst v63  }
0xe7: {  	_ = 	snop  }
0xe8: {  	[tilespmem:s26], [sflag:$0x1] =	stream.indirect.gather [hbm4b:s6+s7], $0x1, s25, s7, $0xb8;
	[tilespmem:$0x1000] =	vst v63  }
0xe9: {  	_ = 	snop  }
0xea: {  	[tilespmem:s29], [sflag:$0x1] =	stream.indirect.gather [hbm4b:s6+s7], $0x1, s28, s7, $0xb8;
	[tilespmem:$0x1000] =	vst v63  }
0xeb: {  	_ = 	snop  }
0xec: {  	[tilespmem:s31], [sflag:$0x1] =	stream.indirect.gather [hbm4b:s6+s7], $0x1, s30, s7, $0xb8;
	[tilespmem:$0x1000] =	vst v63  }
0xed: {  	_ =	swait.ge [sflag:s5], $0x80  }
0xee: {  	[sflag:s5] =	ssyncset.done $0x0  }
0xef: {  	[sflag:s5] =	ssyncadd.s32 $0xFFFFFF80  }
0xf0: {  	_ =	swait.ge [sflag:s5], $0x80  }
0xf1: {  	[sflag:s5] =	ssyncset.done $0x0  }
0xf2: {  	[sflag:s5] =	ssyncadd.s32 $0xFFFFFF80  }
0xf3: {  	_ =	swait.ge [sflag:s5], $0x80  }
0xf4: {  	[sflag:s5] =	ssyncset.done $0x0  }
0xf5: {  	[sflag:s5] =	ssyncadd.s32 $0xFFFFFF80  }
0xf6: {  	_ =	swait.ge [sflag:s5], $0x80  }
0xf7: {  	[sflag:s5] =	ssyncset.done $0x0  }
0xf8: {  	[sflag:s5] =	ssyncadd.s32 $0xFFFFFF80  }
0xf9: {  	_ =	swait.ge [sflag:s5], $0x80  }
0xfa: {  	[sflag:s5] =	ssyncset.done $0x0  }
0xfb: {  	[sflag:s5] =	ssyncadd.s32 $0xFFFFFF80  }
0xfc: {  	_ =	swait.ge [sflag:s5], $0x80  }
0xfd: {  	[sflag:s5] =	ssyncset.done $0x0  }
0xfe: {  	[sflag:s5] =	ssyncadd.s32 $0xFFFFFF80  }
0xff: {  	_ =	swait.ge [sflag:s5], $0x80  }
0x100: {  	[sflag:s5] =	ssyncset.done $0x0  }
0x101: {  	[sflag:s5] =	ssyncadd.s32 $0xFFFFFF80  }
0x102: {  	_ =	swait.ge [sflag:s5], $0x80  }
0x103: {  	[sflag:s5] =	ssyncset.done $0x0  }
0x104: {  	[sflag:s5] =	ssyncadd.s32 $0xFFFFFF80  }
0x105: {  	_ =	swait.ge [sflag:s5], $0x80  }
0x106: {  	[sflag:s5] =	ssyncset.done $0x0  }
0x107: {  	[sflag:s5] =	ssyncadd.s32 $0xFFFFFF80  }
0x108: {  	_ =	swait.ge [sflag:s5], $0x80  }
0x109: {  	[sflag:s5] =	ssyncset.done $0x0  }
0x10a: {  	[sflag:s5] =	ssyncadd.s32 $0xFFFFFF80  }
0x10b: {  	_ =	swait.ge [sflag:s5], $0x80  }
0x10c: {  	[sflag:s5] =	ssyncset.done $0x0  }
0x10d: {  	[sflag:s5] =	ssyncadd.s32 $0xFFFFFF80  }
0x10e: {  	_ =	swait.ge [sflag:s5], $0x80  }
0x10f: {  	[sflag:s5] =	ssyncset.done $0x0  }
0x110: {  	[sflag:s5] =	ssyncadd.s32 $0xFFFFFF80  }
0x111: {  	_ =	swait.ge [sflag:s5], $0x80  }
0x112: {  	[sflag:s5] =	ssyncset.done $0x0  }
0x113: {  	[sflag:s5] =	ssyncadd.s32 $0xFFFFFF80  }
0x114: {  	_ =	swait.ge [sflag:s5], $0x80  }
0x115: {  	[sflag:s5] =	ssyncset.done $0x0  }
0x116: {  	[sflag:s5] =	ssyncadd.s32 $0xFFFFFF80  }
0x117: {  	_ =	swait.ge [sflag:s5], $0x80  }
0x118: {  	[sflag:s5] =	ssyncset.done $0x0  }
0x119: {  	[sflag:s5] =	ssyncadd.s32 $0xFFFFFF80  }
0x11a: {  	_ =	swait.ge [sflag:s5], $0x80  }
0x11b: {  	[sflag:s5] =	ssyncset.done $0x0  }
0x11c: {  	s30 =	rddreg [dreg:$0x4];
	[sflag:s5] =	ssyncadd.s32 $0xFFFFFF80  }
0x11d: {  	[hbm4b:s30+s2] =	stream.linear.scatter [tilespmem:s4], [sflag:$0x2], $0x800, $0x38;
	[tilespmem:$0x1000] =	vst v63  }
0x11e: {  	_ =	swait.ge [sflag:s3], $0x800  }
0x11f: {  	[sflag:s3] =	ssyncset.done $0x0  }
0x120: {  	[sflag:s3] =	ssyncadd.s32 $0xFFFFF800  }
0x121: {  	_ =	sfence.sel $0x180000  }
0x122: {  	[bflag:$0x0] =	sbarrier.arrive $0xFFFF  }
0x123: {  	_ =	strace $0x90000047  }
0x124: {  	s31 =	stileid.u32;
	[bflag:$0x2] =	sbarrier.arrive $0xFFFF  }
0x125: {  	p0 =	sne.s32 s31, $0x0;
	s0 =	rddreg [dreg:$0x2]  }
0x126: {  	s0 =	sadd.s32 @!p0 $0x100000, s0  }
0x127: {  	[sflag:s0] =	ssyncadd.tile.s32 @!p0 $0x1;
	_ =	shalt  }
.Lfunc_end2:
_tile_overlayer_lowered:
.L_overlay_start_2:
0x128: {  	(tag) =	ssettag $0x2  }
0x129: {  	s0 =	rddreg [dreg:$0x0];
	s2 =	stileid.u32  }
0x12a: {  	s1 =	rddreg [dreg:$0x1];
	p0 =	sne.s32 s2, $0x0  }
0x12b: {  	s3 =	rddreg [dreg:$0x2];
	[bflag:$0x3] =	sbarrier.arrive $0xFFFF;
	s2 =	simm.s32 @!p0 $0x1C02  }
0x12c: {  	[timem:s3], [sflag:s2] =	dma.local @!p0 [hbm:s0], s1  }
0x12d: {  	s0 =	simm.s32 @!p0 $0x2  }
0x12e: {  	_ =	swait.ge @!p0 [sflag:s0], s1  }
0x12f: {  	s1 =	ssub.s32 @!p0 $0x0, s1;
	[sflag:s0] =	ssyncset.done @!p0 $0x0  }
0x130: {  	[sflag:s0] =	ssyncadd.s32 @!p0 s1  }
0x131: {  	[bflag:$0x3] =	sbarrier.arrive $0xFFFF  }
0x132: {  	_ =	shalt  }

</sc_bundles>
